<compile_context>
chip_gen: v7x
topology: tpu7x:2x2x1
jax: 0.10.2.dev20260603
libtpu: 0.0.44.dev20260713+nightly
codegen_flags: <defaults>
</compile_context>

<pallas_src>
import functools

import jax
import jax.numpy as jnp
from jax import lax
from jax.experimental import pallas as pl
from jax.experimental.pallas import tpu as pltpu
from jax.experimental.pallas import tpu_sc as plsc

_NC = 2
_NS = 16
_NW = _NC * _NS
_L = 16


def _sc_partials(n2, e, p, interleaved):
    gtot = e // _L
    gsmall = gtot // _NW
    rem = gtot % _NW
    gbig = gsmall + (1 if rem else 0)
    epw = gbig * _L
    nrows = 3 + 2 * p
    sb = 128
    nsb = (epw + sb - 1) // sb + 1
    tot_sb = e // sb
    mesh = plsc.VectorSubcoreMesh(core_axis_name="c", subcore_axis_name="s")

    if interleaved:
        idx_scratch = [pltpu.VMEM((2, sb * nsb), jnp.int32)]
        par_scratch = pltpu.VMEM((p, sb * nsb), jnp.float32)
    else:
        idx_scratch = [pltpu.VMEM((epw,), jnp.int32),
                       pltpu.VMEM((epw,), jnp.int32)]
        par_scratch = pltpu.VMEM((p * epw,), jnp.float32)

    @functools.partial(
        pl.kernel,
        out_type=jax.ShapeDtypeStruct((_NW, nrows, _L), jnp.float32),
        mesh=mesh,
        compiler_params=pltpu.CompilerParams(needs_layout_passes=False),
        scratch_types=idx_scratch + [
            pltpu.VMEM((n2,), jnp.float32),
            pltpu.VMEM((epw,), jnp.float32),
            par_scratch,
            pltpu.VMEM((nrows, _L), jnp.float32),
            pltpu.SemaphoreType.DMA,
        ],
    )
    def sc_kernel(vtab_hbm, ei_hbm, w_hbm, par_hbm, out_hbm,
                  *refs):
        if interleaved:
            sd_v, vtab_v, w_v, par_v, res_v, sem = refs
        else:
            src_v, dst_v, vtab_v, w_v, par_v, res_v, sem = refs
        wid = lax.axis_index("s") * _NC + lax.axis_index("c")
        nsmall = _NW - rem if rem else _NW
        is_small = wid < nsmall
        base = jnp.where(is_small, wid * gsmall,
                         nsmall * gsmall + (wid - nsmall) * gbig) * _L

        if interleaved:
            sb0 = jnp.maximum(jnp.minimum(base // sb, tot_sb - nsb), 0)
            rphase = base - sb0 * sb
            var_copies = [
                pltpu.async_copy(ei_hbm.at[:, pl.ds(sb * sb0, sb * nsb)],
                                 sd_v, sem),
                pltpu.async_copy(par_hbm.at[:, pl.ds(sb * sb0, sb * nsb)],
                                 par_v, sem),
            ]
        else:
            var_copies = [
                pltpu.async_copy(ei_hbm.at[pl.ds(base, epw)], src_v, sem),
                pltpu.async_copy(ei_hbm.at[pl.ds(e + base, epw)], dst_v, sem),
            ] + [
                pltpu.async_copy(par_hbm.at[pl.ds(j * e + base, epw)],
                                 par_v.at[pl.ds(j * epw, epw)], sem)
                for j in range(p)
            ]
        copies = var_copies + [
            pltpu.async_copy(vtab_hbm, vtab_v, sem),
            pltpu.async_copy(w_hbm.at[pl.ds(base, epw)], w_v, sem),
        ]
        for c in copies:
            c.wait()
        if rem:
            @pl.when(is_small)
            def _():
                w_v[pl.ds(gsmall * _L, _L)] = jnp.zeros((_L,), jnp.float32)

        half = jnp.float32(0.5)
        th = jnp.float32(1.5)
        eps = jnp.float32(1e-12)

        def body(g, carry):
            off = g * _L
            if interleaved:
                q = rphase + off
                s2i = sd_v[0, pl.ds(q, _L)] * 2
                d2i = sd_v[1, pl.ds(q, _L)] * 2
            else:
                s2i = src_v[pl.ds(off, _L)] * 2
                d2i = dst_v[pl.ds(off, _L)] * 2
            vrs = plsc.load_gather(vtab_v, [s2i])
            vis = plsc.load_gather(vtab_v, [s2i + 1])
            vrd = plsc.load_gather(vtab_v, [d2i])
            vid = plsc.load_gather(vtab_v, [d2i + 1])
            w = w_v[pl.ds(off, _L)]
            dr = vrs - vrd
            di = vis - vid
            x = dr * dr + di * di + eps
            yi = 0x5F3759DF - lax.shift_right_logical(
                plsc.bitcast(x, jnp.int32), 1)
            y = plsc.bitcast(yi, jnp.float32)
            hx = half * x
            y = y * (th - hx * y * y)
            y = y * (th - hx * y * y)
            y = y * (th - hx * y * y)
            vd = x * y * w
            wa, t1, t2, s1, s2 = carry
            ns1 = []
            ns2 = []
            for j in range(p):
                if interleaved:
                    pv = par_v[j, pl.ds(q, _L)]
                else:
                    pv = par_v[pl.ds(j * epw + off, _L)]
                pw = pv * w
                ns1.append(s1[j] + pw)
                ns2.append(s2[j] + pv * pw)
            return (wa + w, t1 + vd, t2 + vd * vd, tuple(ns1), tuple(ns2))

        zero = jnp.zeros((_L,), jnp.float32)
        init = (zero, zero, zero, (zero,) * p, (zero,) * p)
        wa, t1, t2, s1, s2 = lax.fori_loop(0, gbig, body, init, unroll=2)
        res_v[0, :] = wa
        res_v[1, :] = t1
        res_v[2, :] = t2
        for j in range(p):
            res_v[3 + j, :] = s1[j]
            res_v[3 + p + j, :] = s2[j]
        pltpu.sync_copy(res_v, out_hbm.at[wid])

    return sc_kernel


def _tc_finish(e, p):
    ef = float(e)

    def body(x_ref, o_ref):
        s0 = jnp.sum(x_ref[:, 0, :])
        t1 = jnp.sum(x_ref[:, 1, :])
        t2 = jnp.sum(x_ref[:, 2, :])
        denom = s0 + jnp.float32(1e-6)
        acc = jnp.float32(0.0)
        for j in range(p):
            s1 = jnp.sum(x_ref[:, 3 + j, :])
            s2 = jnp.sum(x_ref[:, 3 + p + j, :])
            m = s1 / denom
            acc = acc + (s2 - 2.0 * m * s1 + m * m * s0)
        pc = acc / jnp.float32(p)
        vc = (t2 - t1 * t1 / jnp.float32(ef)) / jnp.float32(ef - 1.0)
        o_ref[0, 0] = pc + vc

    return pl.pallas_call(
        body,
        out_shape=jax.ShapeDtypeStruct((1, 1), jnp.float32),
        out_specs=pl.BlockSpec(memory_space=pltpu.SMEM),
    )


def kernel(node_features, edge_index, edge_probs, edge_params):
    n = node_features.shape[0]
    e = edge_index.shape[1]
    p = edge_params.shape[1]
    if e % _L:
        pad = _L - e % _L
        edge_index = jnp.pad(edge_index, ((0, 0), (0, pad)))
        edge_probs = jnp.pad(edge_probs, (0, pad))
        edge_params = jnp.pad(edge_params, ((0, pad), (0, 0)))
    vtab = node_features[:, :2].reshape(-1)
    ep = edge_index.shape[1]
    interleaved = ep % 128 == 0
    if interleaved:
        ei_lin = edge_index
        par_lin = edge_params.T
    else:
        ei_lin = edge_index.reshape(-1)
        par_lin = edge_params.T.reshape(-1)
    partials = _sc_partials(2 * n, ep, p, interleaved)(
        vtab, ei_lin, edge_probs, par_lin)
    return _tc_finish(e, p)(partials)[0, 0]

# --- scband reference (transcript-rebuilt; emitter-appended) ---
"""Pipeline reference for scband-kirchhoff-voltage-law-38010460570137 (READ-ONLY COPY).

The authoritative reference and input builder live on the scoring server;
editing this copy changes nothing except your own understanding.
"""

import jax, jax.numpy as jnp
import numpy as np


def setup_inputs(seed: int = 0) -> dict:
    key = jax.random.key(seed)
    k1, k2, k3, k4 = jax.random.split(key, 4)
    N, E, D, P = 10000, 160000, 128, 4
    node_features = jax.random.normal(k1, (N, D), dtype=jnp.float32)
    edge_index = jax.random.randint(k2, (2, E), 0, N, dtype=jnp.int32)
    edge_probs = jax.random.uniform(k3, (E,), dtype=jnp.float32)
    edge_params = jax.random.normal(k4, (E, P), dtype=jnp.float32)
    return {
        "node_features": node_features,
        "edge_index": edge_index,
        "edge_probs": edge_probs,
        "edge_params": edge_params,
    }


def reference(node_features, edge_index, edge_probs, edge_params):
    # parameter consistency loss
    weights = edge_probs[:, None]                                  # [E,1]
    weighted_params = edge_params * weights                        # [E,P]
    mean_params = weighted_params.sum(axis=0) / (weights.sum() + 1e-06)
    param_variance = ((edge_params - mean_params) ** 2 * weights).sum(axis=0)
    param_consistency = param_variance.mean()

    # voltage drop consistency (vectorized over edges; same math as the
    # per-edge python loop: |V_src - V_dst| with V complex from cols 0,1)
    src = edge_index[0]
    dst = edge_index[1]
    dr = jnp.take(node_features[:, 0], src) - jnp.take(node_features[:, 0], dst)
    di = jnp.take(node_features[:, 1], src) - jnp.take(node_features[:, 1], dst)
    voltage_drops = jnp.sqrt(dr * dr + di * di + 1e-12) * edge_probs  # [E]
    # torch.var defaults to unbiased (ddof=1)
    voltage_consistency = jnp.var(voltage_drops, ddof=1)

    return param_consistency + voltage_consistency

if __name__ == "__main__":
    import jax
    _d = setup_inputs()
    print(jax.jit(kernel)(*tuple(_d.values())))

</pallas_src>

<mosaic_0001>
#map = affine_map<(d0, d1) -> (0)>
#map1 = affine_map<(d0, d1) -> (0, 0)>
#map2 = affine_map<(d0, d1) -> (0, 0, 0)>
module attributes {stable_mosaic.version = 14 : i64} {
  func.func @sc_kernel(%arg0: i32, %arg1: i32, %arg2: memref<20000xf32, #tpu.memory_space<hbm>>, %arg3: memref<2x160000xi32, #tpu.memory_space<hbm>>, %arg4: memref<160000xf32, #tpu.memory_space<hbm>>, %arg5: memref<4x160000xf32, #tpu.memory_space<hbm>>, %arg6: memref<32x11x16xf32, #tpu.memory_space<hbm>>, %arg7: memref<2x5248xi32, #tpu.memory_space<vmem>>, %arg8: memref<20000xf32, #tpu.memory_space<vmem>>, %arg9: memref<5008xf32, #tpu.memory_space<vmem>>, %arg10: memref<4x5248xf32, #tpu.memory_space<vmem>>, %arg11: memref<11x16xf32, #tpu.memory_space<vmem>>, %arg12: memref<!tpu.dma_semaphore, #tpu.memory_space<semaphore_mem>>) attributes {dimension_semantics = [#tpu.dimension_semantics<core_parallel>, #tpu.dimension_semantics<subcore_parallel>], iteration_bounds = array<i64: 2, 16>, scalar_prefetch = 0 : i64, scratch_operands = 6 : i64, tpu.core_type = #tpu.core_type<sc_vector_subcore>, window_params = [{transform_indices = #map}, {transform_indices = #map1}, {transform_indices = #map}, {transform_indices = #map1}, {transform_indices = #map2}]} {
    %mul3A = arith.constant 2 : i32
    %mul3A_0 = arith.muli %arg1, %mul3A : i32
    %add3A = arith.addi %mul3A_0, %arg0 : i32
    %lt3A = arith.constant 16 : i32
    %lt3A_1 = arith.cmpi slt, %add3A, %lt3A : i32
    %mul3A_2 = arith.constant 312 : i32
    %mul3A_3 = arith.muli %add3A, %mul3A_2 : i32
    %sub3A = arith.constant 16 : i32
    %sub3A_4 = arith.subi %add3A, %sub3A : i32
    %mul3A_5 = arith.constant 313 : i32
    %mul3A_6 = arith.muli %sub3A_4, %mul3A_5 : i32
    %add3A_7 = arith.constant 4992 : i32
    %add3A_8 = arith.addi %add3A_7, %mul3A_6 : i32
    %select_n3A = arith.select %lt3A_1, %mul3A_3, %add3A_8 : i32
    %mul3A_9 = arith.constant 16 : i32
    %mul3A_10 = arith.muli %select_n3A, %mul3A_9 : i32
    %jit3A = arith.constant 128 : i32
    %div3A = arith.divsi %mul3A_10, %jit3A : i32
    %sign3A = arith.constant 0 : i32
    %sign3A_11 = arith.cmpi sgt, %mul3A_10, %sign3A : i32
    %sign3A_12 = arith.extui %sign3A_11 : i1 to i32
    %sign3A_13 = arith.constant 0 : i32
    %sign3A_14 = arith.cmpi slt, %mul3A_10, %sign3A_13 : i32
    %sign3A_15 = arith.extui %sign3A_14 : i1 to i32
    %sign3A_16 = arith.subi %sign3A_12, %sign3A_15 : i32
    %sign3A_17 = arith.constant 0 : i32
    %sign3A_18 = arith.cmpi sgt, %jit3A, %sign3A_17 : i32
    %sign3A_19 = arith.extui %sign3A_18 : i1 to i32
    %sign3A_20 = arith.constant 0 : i32
    %sign3A_21 = arith.cmpi slt, %jit3A, %sign3A_20 : i32
    %sign3A_22 = arith.extui %sign3A_21 : i1 to i32
    %sign3A_23 = arith.subi %sign3A_19, %sign3A_22 : i32
    %ne3A = arith.cmpi ne, %sign3A_16, %sign3A_23 : i32
    %rem3A = arith.remsi %mul3A_10, %jit3A : i32
    %ne3A_24 = arith.constant 0 : i32
    %ne3A_25 = arith.cmpi ne, %rem3A, %ne3A_24 : i32
    %and3A = arith.andi %ne3A, %ne3A_25 : i1
    %sub3A_26 = arith.constant 1 : i32
    %sub3A_27 = arith.subi %div3A, %sub3A_26 : i32
    %select_n3A_28 = arith.select %and3A, %sub3A_27, %div3A : i32
    %min3A = arith.constant 1209 : i32
    %min3A_29 = arith.minsi %select_n3A_28, %min3A : i32
    %max3A = arith.constant 0 : i32
    %max3A_30 = arith.maxsi %min3A_29, %max3A : i32
    %mul3A_31 = arith.constant 128 : i32
    %mul3A_32 = arith.muli %max3A_30, %mul3A_31 : i32
    %sub3A_33 = arith.subi %mul3A_10, %mul3A_32 : i32
    %mul3A_34 = arith.constant 128 : i32
    %mul3A_35 = arith.muli %mul3A_34, %max3A_30 : i32
    %dma_start3A = arith.constant 0 : i32
    %dma_start3A_36 = tpu.memref_slice %arg3[%dma_start3A, %mul3A_35] : memref<2x160000xi32, #tpu.memory_space<hbm>> -> memref<2x5248xi32, #tpu.memory_space<hbm>>
    %dma_start3A_37 = arith.constant 0 : i32
    %dma_start3A_38 = tpu.memref_slice %arg3[%dma_start3A_37, %mul3A_35] : memref<2x160000xi32, #tpu.memory_space<hbm>> -> memref<2x5248xi32, #tpu.memory_space<hbm>>
    tpu.enqueue_dma source(%dma_start3A_38 : memref<2x5248xi32, #tpu.memory_space<hbm>>) target(%arg7 : memref<2x5248xi32, #tpu.memory_space<vmem>>) target_semaphore(%arg12 : memref<!tpu.dma_semaphore, #tpu.memory_space<semaphore_mem>>)
    %mul3A_39 = arith.constant 128 : i32
    %mul3A_40 = arith.muli %mul3A_39, %max3A_30 : i32
    %dma_start3A_41 = arith.constant 0 : i32
    %dma_start3A_42 = tpu.memref_slice %arg5[%dma_start3A_41, %mul3A_40] : memref<4x160000xf32, #tpu.memory_space<hbm>> -> memref<4x5248xf32, #tpu.memory_space<hbm>>
    %dma_start3A_43 = arith.constant 0 : i32
    %dma_start3A_44 = tpu.memref_slice %arg5[%dma_start3A_43, %mul3A_40] : memref<4x160000xf32, #tpu.memory_space<hbm>> -> memref<4x5248xf32, #tpu.memory_space<hbm>>
    tpu.enqueue_dma source(%dma_start3A_44 : memref<4x5248xf32, #tpu.memory_space<hbm>>) target(%arg10 : memref<4x5248xf32, #tpu.memory_space<vmem>>) target_semaphore(%arg12 : memref<!tpu.dma_semaphore, #tpu.memory_space<semaphore_mem>>)
    tpu.enqueue_dma source(%arg2 : memref<20000xf32, #tpu.memory_space<hbm>>) target(%arg8 : memref<20000xf32, #tpu.memory_space<vmem>>) target_semaphore(%arg12 : memref<!tpu.dma_semaphore, #tpu.memory_space<semaphore_mem>>)
    %dma_start3A_45 = tpu.memref_slice %arg4[%mul3A_10] : memref<160000xf32, #tpu.memory_space<hbm>> -> memref<5008xf32, #tpu.memory_space<hbm>>
    %dma_start3A_46 = tpu.memref_slice %arg4[%mul3A_10] : memref<160000xf32, #tpu.memory_space<hbm>> -> memref<5008xf32, #tpu.memory_space<hbm>>
    tpu.enqueue_dma source(%dma_start3A_46 : memref<5008xf32, #tpu.memory_space<hbm>>) target(%arg9 : memref<5008xf32, #tpu.memory_space<vmem>>) target_semaphore(%arg12 : memref<!tpu.dma_semaphore, #tpu.memory_space<semaphore_mem>>)
    %dma_wait3A = arith.constant 0 : i32
    %dma_wait3A_47 = tpu.memref_slice %arg3[%dma_wait3A, %mul3A_35] : memref<2x160000xi32, #tpu.memory_space<hbm>> -> memref<2x5248xi32, #tpu.memory_space<hbm>>
    %dma_wait3A_48 = arith.constant 0 : i32
    %dma_wait3A_49 = tpu.memref_slice %arg3[%dma_wait3A_48, %mul3A_35] : memref<2x160000xi32, #tpu.memory_space<hbm>> -> memref<2x5248xi32, #tpu.memory_space<hbm>>
    tpu.wait_dma2 semaphore(%arg12 : memref<!tpu.dma_semaphore, #tpu.memory_space<semaphore_mem>>) src(%dma_wait3A_49 : memref<2x5248xi32, #tpu.memory_space<hbm>>) dst(%arg7 : memref<2x5248xi32, #tpu.memory_space<vmem>>)
    %dma_wait3A_50 = arith.constant 0 : i32
    %dma_wait3A_51 = tpu.memref_slice %arg5[%dma_wait3A_50, %mul3A_40] : memref<4x160000xf32, #tpu.memory_space<hbm>> -> memref<4x5248xf32, #tpu.memory_space<hbm>>
    %dma_wait3A_52 = arith.constant 0 : i32
    %dma_wait3A_53 = tpu.memref_slice %arg5[%dma_wait3A_52, %mul3A_40] : memref<4x160000xf32, #tpu.memory_space<hbm>> -> memref<4x5248xf32, #tpu.memory_space<hbm>>
    tpu.wait_dma2 semaphore(%arg12 : memref<!tpu.dma_semaphore, #tpu.memory_space<semaphore_mem>>) src(%dma_wait3A_53 : memref<4x5248xf32, #tpu.memory_space<hbm>>) dst(%arg10 : memref<4x5248xf32, #tpu.memory_space<vmem>>)
    tpu.wait_dma2 semaphore(%arg12 : memref<!tpu.dma_semaphore, #tpu.memory_space<semaphore_mem>>) src(%arg2 : memref<20000xf32, #tpu.memory_space<hbm>>) dst(%arg8 : memref<20000xf32, #tpu.memory_space<vmem>>)
    %dma_wait3A_54 = tpu.memref_slice %arg4[%mul3A_10] : memref<160000xf32, #tpu.memory_space<hbm>> -> memref<5008xf32, #tpu.memory_space<hbm>>
    %dma_wait3A_55 = tpu.memref_slice %arg4[%mul3A_10] : memref<160000xf32, #tpu.memory_space<hbm>> -> memref<5008xf32, #tpu.memory_space<hbm>>
    tpu.wait_dma2 semaphore(%arg12 : memref<!tpu.dma_semaphore, #tpu.memory_space<semaphore_mem>>) src(%dma_wait3A_55 : memref<5008xf32, #tpu.memory_space<hbm>>) dst(%arg9 : memref<5008xf32, #tpu.memory_space<vmem>>)
    %convert_element_type3A = arith.extui %lt3A_1 : i1 to i32
    %cond3A = arith.constant 0 : i32
    %cond3A_56 = arith.cmpi ne, %convert_element_type3A, %cond3A : i32
    scf.if %cond3A_56 {
      %broadcast_in_dim3A_206 = arith.constant 0.000000e+00 : f32
      %broadcast_in_dim3A_207 = vector.broadcast %broadcast_in_dim3A_206 : f32 to vector<16xf32>
      %swap3A_208 = arith.constant 4992 : index
      %swap3A_209 = tpu.vector_load %arg9[%swap3A_208] {strides = array<i32>} : memref<5008xf32, #tpu.memory_space<vmem>>, vector<16xf32>,
      tpu.vector_store %arg9[%swap3A_208], %broadcast_in_dim3A_207 {strides = array<i32>} : memref<5008xf32, #tpu.memory_space<vmem>>, vector<16xf32>,
    } else {
    }
    %broadcast_in_dim3A = arith.constant 0.000000e+00 : f32
    %broadcast_in_dim3A_57 = vector.broadcast %broadcast_in_dim3A : f32 to vector<16xf32>
    %scan3A = arith.constant 9.99999996E-13 : f32
    %scan3A_58 = arith.constant 5.000000e-01 : f32
    %scan3A_59 = arith.constant 1.500000e+00 : f32
    %scan3A_60 = arith.constant 0 : i32
    %scan3A_61 = arith.constant 312 : i32
    %scan3A_62 = arith.addi %scan3A_60, %scan3A_61 : i32
    %scan3A_63 = arith.constant 2 : i32
    %scan3A_64:11 = scf.for %scan3A_206 = %scan3A_60 to %scan3A_62 step %scan3A_63 iter_args(%scan3A_207 = %broadcast_in_dim3A_57, %scan3A_208 = %broadcast_in_dim3A_57, %scan3A_209 = %broadcast_in_dim3A_57, %scan3A_210 = %broadcast_in_dim3A_57, %scan3A_211 = %broadcast_in_dim3A_57, %scan3A_212 = %broadcast_in_dim3A_57, %scan3A_213 = %broadcast_in_dim3A_57, %scan3A_214 = %broadcast_in_dim3A_57, %scan3A_215 = %broadcast_in_dim3A_57, %scan3A_216 = %broadcast_in_dim3A_57, %scan3A_217 = %broadcast_in_dim3A_57) -> (vector<16xf32>, vector<16xf32>, vector<16xf32>, vector<16xf32>, vector<16xf32>, vector<16xf32>, vector<16xf32>, vector<16xf32>, vector<16xf32>, vector<16xf32>, vector<16xf32>)  : i32 {
      %mul3A_218 = arith.constant 16 : i32
      %mul3A_219 = arith.muli %scan3A_206, %mul3A_218 : i32
      %add3A_220 = arith.addi %sub3A_33, %mul3A_219 : i32
      %get3A_221 = arith.constant 0 : i32
      %get3A_222 = arith.index_cast %get3A_221 : i32 to index
      %get3A_223 = arith.index_cast %add3A_220 : i32 to index
      %get3A_224 = tpu.vector_load %arg7[%get3A_222, %get3A_223] {strides = array<i32>} : memref<2x5248xi32, #tpu.memory_space<vmem>>, vector<16xi32>,
      %mul3A_225 = arith.constant 2 : i32
      %mul3A_226 = vector.broadcast %mul3A_225 : i32 to vector<16xi32>
      %mul3A_227 = arith.muli %get3A_224, %mul3A_226 : vector<16xi32>
      %get3A_228 = arith.constant 1 : i32
      %get3A_229 = arith.index_cast %get3A_228 : i32 to index
      %get3A_230 = arith.index_cast %add3A_220 : i32 to index
      %get3A_231 = tpu.vector_load %arg7[%get3A_229, %get3A_230] {strides = array<i32>} : memref<2x5248xi32, #tpu.memory_space<vmem>>, vector<16xi32>,
      %mul3A_232 = arith.constant 2 : i32
      %mul3A_233 = vector.broadcast %mul3A_232 : i32 to vector<16xi32>
      %mul3A_234 = arith.muli %get3A_231, %mul3A_233 : vector<16xi32>
      %gather3A_235 = tpu.vector_load_idx %arg8[%mul3A_227] : memref<20000xf32, #tpu.memory_space<vmem>>[vector<16xi32>], vector<16xf32>,
      %add3A_236 = arith.constant 1 : i32
      %add3A_237 = vector.broadcast %add3A_236 : i32 to vector<16xi32>
      %add3A_238 = arith.addi %mul3A_227, %add3A_237 : vector<16xi32>
      %gather3A_239 = tpu.vector_load_idx %arg8[%add3A_238] : memref<20000xf32, #tpu.memory_space<vmem>>[vector<16xi32>], vector<16xf32>,
      %gather3A_240 = tpu.vector_load_idx %arg8[%mul3A_234] : memref<20000xf32, #tpu.memory_space<vmem>>[vector<16xi32>], vector<16xf32>,
      %add3A_241 = arith.constant 1 : i32
      %add3A_242 = vector.broadcast %add3A_241 : i32 to vector<16xi32>
      %add3A_243 = arith.addi %mul3A_234, %add3A_242 : vector<16xi32>
      %gather3A_244 = tpu.vector_load_idx %arg8[%add3A_243] : memref<20000xf32, #tpu.memory_space<vmem>>[vector<16xi32>], vector<16xf32>,
      %get3A_245 = arith.index_cast %mul3A_219 : i32 to index
      %get3A_246 = tpu.vector_load %arg9[%get3A_245] {strides = array<i32>} : memref<5008xf32, #tpu.memory_space<vmem>>, vector<16xf32>,
      %sub3A_247 = arith.subf %gather3A_235, %gather3A_240 : vector<16xf32>
      %sub3A_248 = arith.subf %gather3A_239, %gather3A_244 : vector<16xf32>
      %mul3A_249 = arith.mulf %sub3A_247, %sub3A_247 : vector<16xf32>
      %mul3A_250 = arith.mulf %sub3A_248, %sub3A_248 : vector<16xf32>
      %add3A_251 = arith.addf %mul3A_249, %mul3A_250 : vector<16xf32>
      %add3A_252 = vector.broadcast %scan3A : f32 to vector<16xf32>
      %add3A_253 = arith.addf %add3A_251, %add3A_252 : vector<16xf32>
      %bitcast3A_254 = vector.bitcast %add3A_253 : vector<16xf32> to vector<16xi32>
      %shift_right_logical3A_255 = arith.constant 1 : i32
      %shift_right_logical3A_256 = vector.broadcast %shift_right_logical3A_255 : i32 to vector<16xi32>
      %shift_right_logical3A_257 = arith.shrui %bitcast3A_254, %shift_right_logical3A_256 : vector<16xi32>
      %sub3A_258 = arith.constant 1597463007 : i32
      %sub3A_259 = vector.broadcast %sub3A_258 : i32 to vector<16xi32>
      %sub3A_260 = arith.subi %sub3A_259, %shift_right_logical3A_257 : vector<16xi32>
      %bitcast3A_261 = vector.bitcast %sub3A_260 : vector<16xi32> to vector<16xf32>
      %mul3A_262 = vector.broadcast %scan3A_58 : f32 to vector<16xf32>
      %mul3A_263 = arith.mulf %mul3A_262, %add3A_253 : vector<16xf32>
      %mul3A_264 = arith.mulf %mul3A_263, %bitcast3A_261 : vector<16xf32>
      %mul3A_265 = arith.mulf %mul3A_264, %bitcast3A_261 : vector<16xf32>
      %sub3A_266 = vector.broadcast %scan3A_59 : f32 to vector<16xf32>
      %sub3A_267 = arith.subf %sub3A_266, %mul3A_265 : vector<16xf32>
      %mul3A_268 = arith.mulf %bitcast3A_261, %sub3A_267 : vector<16xf32>
      %mul3A_269 = arith.mulf %mul3A_263, %mul3A_268 : vector<16xf32>
      %mul3A_270 = arith.mulf %mul3A_269, %mul3A_268 : vector<16xf32>
      %sub3A_271 = vector.broadcast %scan3A_59 : f32 to vector<16xf32>
      %sub3A_272 = arith.subf %sub3A_271, %mul3A_270 : vector<16xf32>
      %mul3A_273 = arith.mulf %mul3A_268, %sub3A_272 : vector<16xf32>
      %mul3A_274 = arith.mulf %mul3A_263, %mul3A_273 : vector<16xf32>
      %mul3A_275 = arith.mulf %mul3A_274, %mul3A_273 : vector<16xf32>
      %sub3A_276 = vector.broadcast %scan3A_59 : f32 to vector<16xf32>
      %sub3A_277 = arith.subf %sub3A_276, %mul3A_275 : vector<16xf32>
      %mul3A_278 = arith.mulf %mul3A_273, %sub3A_277 : vector<16xf32>
      %mul3A_279 = arith.mulf %add3A_253, %mul3A_278 : vector<16xf32>
      %mul3A_280 = arith.mulf %mul3A_279, %get3A_246 : vector<16xf32>
      %get3A_281 = arith.constant 0 : i32
      %get3A_282 = arith.index_cast %get3A_281 : i32 to index
      %get3A_283 = arith.index_cast %add3A_220 : i32 to index
      %get3A_284 = tpu.vector_load %arg10[%get3A_282, %get3A_283] {strides = array<i32>} : memref<4x5248xf32, #tpu.memory_space<vmem>>, vector<16xf32>,
      %mul3A_285 = arith.mulf %get3A_284, %get3A_246 : vector<16xf32>
      %add3A_286 = arith.addf %scan3A_210, %mul3A_285 : vector<16xf32>
      %mul3A_287 = arith.mulf %get3A_284, %mul3A_285 : vector<16xf32>
      %add3A_288 = arith.addf %scan3A_214, %mul3A_287 : vector<16xf32>
      %get3A_289 = arith.constant 1 : i32
      %get3A_290 = arith.index_cast %get3A_289 : i32 to index
      %get3A_291 = arith.index_cast %add3A_220 : i32 to index
      %get3A_292 = tpu.vector_load %arg10[%get3A_290, %get3A_291] {strides = array<i32>} : memref<4x5248xf32, #tpu.memory_space<vmem>>, vector<16xf32>,
      %mul3A_293 = arith.mulf %get3A_292, %get3A_246 : vector<16xf32>
      %add3A_294 = arith.addf %scan3A_211, %mul3A_293 : vector<16xf32>
      %mul3A_295 = arith.mulf %get3A_292, %mul3A_293 : vector<16xf32>
      %add3A_296 = arith.addf %scan3A_215, %mul3A_295 : vector<16xf32>
      %get3A_297 = arith.constant 2 : i32
      %get3A_298 = arith.index_cast %get3A_297 : i32 to index
      %get3A_299 = arith.index_cast %add3A_220 : i32 to index
      %get3A_300 = tpu.vector_load %arg10[%get3A_298, %get3A_299] {strides = array<i32>} : memref<4x5248xf32, #tpu.memory_space<vmem>>, vector<16xf32>,
      %mul3A_301 = arith.mulf %get3A_300, %get3A_246 : vector<16xf32>
      %add3A_302 = arith.addf %scan3A_212, %mul3A_301 : vector<16xf32>
      %mul3A_303 = arith.mulf %get3A_300, %mul3A_301 : vector<16xf32>
      %add3A_304 = arith.addf %scan3A_216, %mul3A_303 : vector<16xf32>
      %get3A_305 = arith.constant 3 : i32
      %get3A_306 = arith.index_cast %get3A_305 : i32 to index
      %get3A_307 = arith.index_cast %add3A_220 : i32 to index
      %get3A_308 = tpu.vector_load %arg10[%get3A_306, %get3A_307] {strides = array<i32>} : memref<4x5248xf32, #tpu.memory_space<vmem>>, vector<16xf32>,
      %mul3A_309 = arith.mulf %get3A_308, %get3A_246 : vector<16xf32>
      %add3A_310 = arith.addf %scan3A_213, %mul3A_309 : vector<16xf32>
      %mul3A_311 = arith.mulf %get3A_308, %mul3A_309 : vector<16xf32>
      %add3A_312 = arith.addf %scan3A_217, %mul3A_311 : vector<16xf32>
      %add3A_313 = arith.addf %scan3A_207, %get3A_246 : vector<16xf32>
      %add3A_314 = arith.addf %scan3A_208, %mul3A_280 : vector<16xf32>
      %mul3A_315 = arith.mulf %mul3A_280, %mul3A_280 : vector<16xf32>
      %add3A_316 = arith.addf %scan3A_209, %mul3A_315 : vector<16xf32>
      %scan3A_317 = arith.constant 1 : i32
      %scan3A_318 = arith.addi %scan3A_206, %scan3A_317 : i32
      %mul3A_319 = arith.constant 16 : i32
      %mul3A_320 = arith.muli %scan3A_318, %mul3A_319 : i32
      %add3A_321 = arith.addi %sub3A_33, %mul3A_320 : i32
      %get3A_322 = arith.constant 0 : i32
      %get3A_323 = arith.index_cast %get3A_322 : i32 to index
      %get3A_324 = arith.index_cast %add3A_321 : i32 to index
      %get3A_325 = tpu.vector_load %arg7[%get3A_323, %get3A_324] {strides = array<i32>} : memref<2x5248xi32, #tpu.memory_space<vmem>>, vector<16xi32>,
      %mul3A_326 = arith.constant 2 : i32
      %mul3A_327 = vector.broadcast %mul3A_326 : i32 to vector<16xi32>
      %mul3A_328 = arith.muli %get3A_325, %mul3A_327 : vector<16xi32>
      %get3A_329 = arith.constant 1 : i32
      %get3A_330 = arith.index_cast %get3A_329 : i32 to index
      %get3A_331 = arith.index_cast %add3A_321 : i32 to index
      %get3A_332 = tpu.vector_load %arg7[%get3A_330, %get3A_331] {strides = array<i32>} : memref<2x5248xi32, #tpu.memory_space<vmem>>, vector<16xi32>,
      %mul3A_333 = arith.constant 2 : i32
      %mul3A_334 = vector.broadcast %mul3A_333 : i32 to vector<16xi32>
      %mul3A_335 = arith.muli %get3A_332, %mul3A_334 : vector<16xi32>
      %gather3A_336 = tpu.vector_load_idx %arg8[%mul3A_328] : memref<20000xf32, #tpu.memory_space<vmem>>[vector<16xi32>], vector<16xf32>,
      %add3A_337 = arith.constant 1 : i32
      %add3A_338 = vector.broadcast %add3A_337 : i32 to vector<16xi32>
      %add3A_339 = arith.addi %mul3A_328, %add3A_338 : vector<16xi32>
      %gather3A_340 = tpu.vector_load_idx %arg8[%add3A_339] : memref<20000xf32, #tpu.memory_space<vmem>>[vector<16xi32>], vector<16xf32>,
      %gather3A_341 = tpu.vector_load_idx %arg8[%mul3A_335] : memref<20000xf32, #tpu.memory_space<vmem>>[vector<16xi32>], vector<16xf32>,
      %add3A_342 = arith.constant 1 : i32
      %add3A_343 = vector.broadcast %add3A_342 : i32 to vector<16xi32>
      %add3A_344 = arith.addi %mul3A_335, %add3A_343 : vector<16xi32>
      %gather3A_345 = tpu.vector_load_idx %arg8[%add3A_344] : memref<20000xf32, #tpu.memory_space<vmem>>[vector<16xi32>], vector<16xf32>,
      %get3A_346 = arith.index_cast %mul3A_320 : i32 to index
      %get3A_347 = tpu.vector_load %arg9[%get3A_346] {strides = array<i32>} : memref<5008xf32, #tpu.memory_space<vmem>>, vector<16xf32>,
      %sub3A_348 = arith.subf %gather3A_336, %gather3A_341 : vector<16xf32>
      %sub3A_349 = arith.subf %gather3A_340, %gather3A_345 : vector<16xf32>
      %mul3A_350 = arith.mulf %sub3A_348, %sub3A_348 : vector<16xf32>
      %mul3A_351 = arith.mulf %sub3A_349, %sub3A_349 : vector<16xf32>
      %add3A_352 = arith.addf %mul3A_350, %mul3A_351 : vector<16xf32>
      %add3A_353 = vector.broadcast %scan3A : f32 to vector<16xf32>
      %add3A_354 = arith.addf %add3A_352, %add3A_353 : vector<16xf32>
      %bitcast3A_355 = vector.bitcast %add3A_354 : vector<16xf32> to vector<16xi32>
      %shift_right_logical3A_356 = arith.constant 1 : i32
      %shift_right_logical3A_357 = vector.broadcast %shift_right_logical3A_356 : i32 to vector<16xi32>
      %shift_right_logical3A_358 = arith.shrui %bitcast3A_355, %shift_right_logical3A_357 : vector<16xi32>
      %sub3A_359 = arith.constant 1597463007 : i32
      %sub3A_360 = vector.broadcast %sub3A_359 : i32 to vector<16xi32>
      %sub3A_361 = arith.subi %sub3A_360, %shift_right_logical3A_358 : vector<16xi32>
      %bitcast3A_362 = vector.bitcast %sub3A_361 : vector<16xi32> to vector<16xf32>
      %mul3A_363 = vector.broadcast %scan3A_58 : f32 to vector<16xf32>
      %mul3A_364 = arith.mulf %mul3A_363, %add3A_354 : vector<16xf32>
      %mul3A_365 = arith.mulf %mul3A_364, %bitcast3A_362 : vector<16xf32>
      %mul3A_366 = arith.mulf %mul3A_365, %bitcast3A_362 : vector<16xf32>
      %sub3A_367 = vector.broadcast %scan3A_59 : f32 to vector<16xf32>
      %sub3A_368 = arith.subf %sub3A_367, %mul3A_366 : vector<16xf32>
      %mul3A_369 = arith.mulf %bitcast3A_362, %sub3A_368 : vector<16xf32>
      %mul3A_370 = arith.mulf %mul3A_364, %mul3A_369 : vector<16xf32>
      %mul3A_371 = arith.mulf %mul3A_370, %mul3A_369 : vector<16xf32>
      %sub3A_372 = vector.broadcast %scan3A_59 : f32 to vector<16xf32>
      %sub3A_373 = arith.subf %sub3A_372, %mul3A_371 : vector<16xf32>
      %mul3A_374 = arith.mulf %mul3A_369, %sub3A_373 : vector<16xf32>
      %mul3A_375 = arith.mulf %mul3A_364, %mul3A_374 : vector<16xf32>
      %mul3A_376 = arith.mulf %mul3A_375, %mul3A_374 : vector<16xf32>
      %sub3A_377 = vector.broadcast %scan3A_59 : f32 to vector<16xf32>
      %sub3A_378 = arith.subf %sub3A_377, %mul3A_376 : vector<16xf32>
      %mul3A_379 = arith.mulf %mul3A_374, %sub3A_378 : vector<16xf32>
      %mul3A_380 = arith.mulf %add3A_354, %mul3A_379 : vector<16xf32>
      %mul3A_381 = arith.mulf %mul3A_380, %get3A_347 : vector<16xf32>
      %get3A_382 = arith.constant 0 : i32
      %get3A_383 = arith.index_cast %get3A_382 : i32 to index
      %get3A_384 = arith.index_cast %add3A_321 : i32 to index
      %get3A_385 = tpu.vector_load %arg10[%get3A_383, %get3A_384] {strides = array<i32>} : memref<4x5248xf32, #tpu.memory_space<vmem>>, vector<16xf32>,
      %mul3A_386 = arith.mulf %get3A_385, %get3A_347 : vector<16xf32>
      %add3A_387 = arith.addf %add3A_286, %mul3A_386 : vector<16xf32>
      %mul3A_388 = arith.mulf %get3A_385, %mul3A_386 : vector<16xf32>
      %add3A_389 = arith.addf %add3A_288, %mul3A_388 : vector<16xf32>
      %get3A_390 = arith.constant 1 : i32
      %get3A_391 = arith.index_cast %get3A_390 : i32 to index
      %get3A_392 = arith.index_cast %add3A_321 : i32 to index
      %get3A_393 = tpu.vector_load %arg10[%get3A_391, %get3A_392] {strides = array<i32>} : memref<4x5248xf32, #tpu.memory_space<vmem>>, vector<16xf32>,
      %mul3A_394 = arith.mulf %get3A_393, %get3A_347 : vector<16xf32>
      %add3A_395 = arith.addf %add3A_294, %mul3A_394 : vector<16xf32>
      %mul3A_396 = arith.mulf %get3A_393, %mul3A_394 : vector<16xf32>
      %add3A_397 = arith.addf %add3A_296, %mul3A_396 : vector<16xf32>
      %get3A_398 = arith.constant 2 : i32
      %get3A_399 = arith.index_cast %get3A_398 : i32 to index
      %get3A_400 = arith.index_cast %add3A_321 : i32 to index
      %get3A_401 = tpu.vector_load %arg10[%get3A_399, %get3A_400] {strides = array<i32>} : memref<4x5248xf32, #tpu.memory_space<vmem>>, vector<16xf32>,
      %mul3A_402 = arith.mulf %get3A_401, %get3A_347 : vector<16xf32>
      %add3A_403 = arith.addf %add3A_302, %mul3A_402 : vector<16xf32>
      %mul3A_404 = arith.mulf %get3A_401, %mul3A_402 : vector<16xf32>
      %add3A_405 = arith.addf %add3A_304, %mul3A_404 : vector<16xf32>
      %get3A_406 = arith.constant 3 : i32
      %get3A_407 = arith.index_cast %get3A_406 : i32 to index
      %get3A_408 = arith.index_cast %add3A_321 : i32 to index
      %get3A_409 = tpu.vector_load %arg10[%get3A_407, %get3A_408] {strides = array<i32>} : memref<4x5248xf32, #tpu.memory_space<vmem>>, vector<16xf32>,
      %mul3A_410 = arith.mulf %get3A_409, %get3A_347 : vector<16xf32>
      %add3A_411 = arith.addf %add3A_310, %mul3A_410 : vector<16xf32>
      %mul3A_412 = arith.mulf %get3A_409, %mul3A_410 : vector<16xf32>
      %add3A_413 = arith.addf %add3A_312, %mul3A_412 : vector<16xf32>
      %add3A_414 = arith.addf %add3A_313, %get3A_347 : vector<16xf32>
      %add3A_415 = arith.addf %add3A_314, %mul3A_381 : vector<16xf32>
      %mul3A_416 = arith.mulf %mul3A_381, %mul3A_381 : vector<16xf32>
      %add3A_417 = arith.addf %add3A_316, %mul3A_416 : vector<16xf32>
      scf.yield %add3A_414, %add3A_415, %add3A_417, %add3A_387, %add3A_395, %add3A_403, %add3A_411, %add3A_389, %add3A_397, %add3A_405, %add3A_413 : vector<16xf32>, vector<16xf32>, vector<16xf32>, vector<16xf32>, vector<16xf32>, vector<16xf32>, vector<16xf32>, vector<16xf32>, vector<16xf32>, vector<16xf32>, vector<16xf32>
    }
    %scan3A_65 = arith.constant 312 : i32
    %scan3A_66 = arith.addi %scan3A_60, %scan3A_65 : i32
    %mul3A_67 = arith.constant 16 : i32
    %mul3A_68 = arith.muli %scan3A_66, %mul3A_67 : i32
    %add3A_69 = arith.addi %sub3A_33, %mul3A_68 : i32
    %get3A = arith.constant 0 : i32
    %get3A_70 = arith.index_cast %get3A : i32 to index
    %get3A_71 = arith.index_cast %add3A_69 : i32 to index
    %get3A_72 = tpu.vector_load %arg7[%get3A_70, %get3A_71] {strides = array<i32>} : memref<2x5248xi32, #tpu.memory_space<vmem>>, vector<16xi32>,
    %mul3A_73 = arith.constant 2 : i32
    %mul3A_74 = vector.broadcast %mul3A_73 : i32 to vector<16xi32>
    %mul3A_75 = arith.muli %get3A_72, %mul3A_74 : vector<16xi32>
    %get3A_76 = arith.constant 1 : i32
    %get3A_77 = arith.index_cast %get3A_76 : i32 to index
    %get3A_78 = arith.index_cast %add3A_69 : i32 to index
    %get3A_79 = tpu.vector_load %arg7[%get3A_77, %get3A_78] {strides = array<i32>} : memref<2x5248xi32, #tpu.memory_space<vmem>>, vector<16xi32>,
    %mul3A_80 = arith.constant 2 : i32
    %mul3A_81 = vector.broadcast %mul3A_80 : i32 to vector<16xi32>
    %mul3A_82 = arith.muli %get3A_79, %mul3A_81 : vector<16xi32>
    %gather3A = tpu.vector_load_idx %arg8[%mul3A_75] : memref<20000xf32, #tpu.memory_space<vmem>>[vector<16xi32>], vector<16xf32>,
    %add3A_83 = arith.constant 1 : i32
    %add3A_84 = vector.broadcast %add3A_83 : i32 to vector<16xi32>
    %add3A_85 = arith.addi %mul3A_75, %add3A_84 : vector<16xi32>
    %gather3A_86 = tpu.vector_load_idx %arg8[%add3A_85] : memref<20000xf32, #tpu.memory_space<vmem>>[vector<16xi32>], vector<16xf32>,
    %gather3A_87 = tpu.vector_load_idx %arg8[%mul3A_82] : memref<20000xf32, #tpu.memory_space<vmem>>[vector<16xi32>], vector<16xf32>,
    %add3A_88 = arith.constant 1 : i32
    %add3A_89 = vector.broadcast %add3A_88 : i32 to vector<16xi32>
    %add3A_90 = arith.addi %mul3A_82, %add3A_89 : vector<16xi32>
    %gather3A_91 = tpu.vector_load_idx %arg8[%add3A_90] : memref<20000xf32, #tpu.memory_space<vmem>>[vector<16xi32>], vector<16xf32>,
    %get3A_92 = arith.index_cast %mul3A_68 : i32 to index
    %get3A_93 = tpu.vector_load %arg9[%get3A_92] {strides = array<i32>} : memref<5008xf32, #tpu.memory_space<vmem>>, vector<16xf32>,
    %sub3A_94 = arith.subf %gather3A, %gather3A_87 : vector<16xf32>
    %sub3A_95 = arith.subf %gather3A_86, %gather3A_91 : vector<16xf32>
    %mul3A_96 = arith.mulf %sub3A_94, %sub3A_94 : vector<16xf32>
    %mul3A_97 = arith.mulf %sub3A_95, %sub3A_95 : vector<16xf32>
    %add3A_98 = arith.addf %mul3A_96, %mul3A_97 : vector<16xf32>
    %add3A_99 = vector.broadcast %scan3A : f32 to vector<16xf32>
    %add3A_100 = arith.addf %add3A_98, %add3A_99 : vector<16xf32>
    %bitcast3A = vector.bitcast %add3A_100 : vector<16xf32> to vector<16xi32>
    %shift_right_logical3A = arith.constant 1 : i32
    %shift_right_logical3A_101 = vector.broadcast %shift_right_logical3A : i32 to vector<16xi32>
    %shift_right_logical3A_102 = arith.shrui %bitcast3A, %shift_right_logical3A_101 : vector<16xi32>
    %sub3A_103 = arith.constant 1597463007 : i32
    %sub3A_104 = vector.broadcast %sub3A_103 : i32 to vector<16xi32>
    %sub3A_105 = arith.subi %sub3A_104, %shift_right_logical3A_102 : vector<16xi32>
    %bitcast3A_106 = vector.bitcast %sub3A_105 : vector<16xi32> to vector<16xf32>
    %mul3A_107 = vector.broadcast %scan3A_58 : f32 to vector<16xf32>
    %mul3A_108 = arith.mulf %mul3A_107, %add3A_100 : vector<16xf32>
    %mul3A_109 = arith.mulf %mul3A_108, %bitcast3A_106 : vector<16xf32>
    %mul3A_110 = arith.mulf %mul3A_109, %bitcast3A_106 : vector<16xf32>
    %sub3A_111 = vector.broadcast %scan3A_59 : f32 to vector<16xf32>
    %sub3A_112 = arith.subf %sub3A_111, %mul3A_110 : vector<16xf32>
    %mul3A_113 = arith.mulf %bitcast3A_106, %sub3A_112 : vector<16xf32>
    %mul3A_114 = arith.mulf %mul3A_108, %mul3A_113 : vector<16xf32>
    %mul3A_115 = arith.mulf %mul3A_114, %mul3A_113 : vector<16xf32>
    %sub3A_116 = vector.broadcast %scan3A_59 : f32 to vector<16xf32>
    %sub3A_117 = arith.subf %sub3A_116, %mul3A_115 : vector<16xf32>
    %mul3A_118 = arith.mulf %mul3A_113, %sub3A_117 : vector<16xf32>
    %mul3A_119 = arith.mulf %mul3A_108, %mul3A_118 : vector<16xf32>
    %mul3A_120 = arith.mulf %mul3A_119, %mul3A_118 : vector<16xf32>
    %sub3A_121 = vector.broadcast %scan3A_59 : f32 to vector<16xf32>
    %sub3A_122 = arith.subf %sub3A_121, %mul3A_120 : vector<16xf32>
    %mul3A_123 = arith.mulf %mul3A_118, %sub3A_122 : vector<16xf32>
    %mul3A_124 = arith.mulf %add3A_100, %mul3A_123 : vector<16xf32>
    %mul3A_125 = arith.mulf %mul3A_124, %get3A_93 : vector<16xf32>
    %get3A_126 = arith.constant 0 : i32
    %get3A_127 = arith.index_cast %get3A_126 : i32 to index
    %get3A_128 = arith.index_cast %add3A_69 : i32 to index
    %get3A_129 = tpu.vector_load %arg10[%get3A_127, %get3A_128] {strides = array<i32>} : memref<4x5248xf32, #tpu.memory_space<vmem>>, vector<16xf32>,
    %mul3A_130 = arith.mulf %get3A_129, %get3A_93 : vector<16xf32>
    %add3A_131 = arith.addf %scan3A_64#3, %mul3A_130 : vector<16xf32>
    %mul3A_132 = arith.mulf %get3A_129, %mul3A_130 : vector<16xf32>
    %add3A_133 = arith.addf %scan3A_64#7, %mul3A_132 : vector<16xf32>
    %get3A_134 = arith.constant 1 : i32
    %get3A_135 = arith.index_cast %get3A_134 : i32 to index
    %get3A_136 = arith.index_cast %add3A_69 : i32 to index
    %get3A_137 = tpu.vector_load %arg10[%get3A_135, %get3A_136] {strides = array<i32>} : memref<4x5248xf32, #tpu.memory_space<vmem>>, vector<16xf32>,
    %mul3A_138 = arith.mulf %get3A_137, %get3A_93 : vector<16xf32>
    %add3A_139 = arith.addf %scan3A_64#4, %mul3A_138 : vector<16xf32>
    %mul3A_140 = arith.mulf %get3A_137, %mul3A_138 : vector<16xf32>
    %add3A_141 = arith.addf %scan3A_64#8, %mul3A_140 : vector<16xf32>
    %get3A_142 = arith.constant 2 : i32
    %get3A_143 = arith.index_cast %get3A_142 : i32 to index
    %get3A_144 = arith.index_cast %add3A_69 : i32 to index
    %get3A_145 = tpu.vector_load %arg10[%get3A_143, %get3A_144] {strides = array<i32>} : memref<4x5248xf32, #tpu.memory_space<vmem>>, vector<16xf32>,
    %mul3A_146 = arith.mulf %get3A_145, %get3A_93 : vector<16xf32>
    %add3A_147 = arith.addf %scan3A_64#5, %mul3A_146 : vector<16xf32>
    %mul3A_148 = arith.mulf %get3A_145, %mul3A_146 : vector<16xf32>
    %add3A_149 = arith.addf %scan3A_64#9, %mul3A_148 : vector<16xf32>
    %get3A_150 = arith.constant 3 : i32
    %get3A_151 = arith.index_cast %get3A_150 : i32 to index
    %get3A_152 = arith.index_cast %add3A_69 : i32 to index
    %get3A_153 = tpu.vector_load %arg10[%get3A_151, %get3A_152] {strides = array<i32>} : memref<4x5248xf32, #tpu.memory_space<vmem>>, vector<16xf32>,
    %mul3A_154 = arith.mulf %get3A_153, %get3A_93 : vector<16xf32>
    %add3A_155 = arith.addf %scan3A_64#6, %mul3A_154 : vector<16xf32>
    %mul3A_156 = arith.mulf %get3A_153, %mul3A_154 : vector<16xf32>
    %add3A_157 = arith.addf %scan3A_64#10, %mul3A_156 : vector<16xf32>
    %add3A_158 = arith.addf %scan3A_64#0, %get3A_93 : vector<16xf32>
    %add3A_159 = arith.addf %scan3A_64#1, %mul3A_125 : vector<16xf32>
    %mul3A_160 = arith.mulf %mul3A_125, %mul3A_125 : vector<16xf32>
    %add3A_161 = arith.addf %scan3A_64#2, %mul3A_160 : vector<16xf32>
    %scan3A_162 = arith.constant 313 : i32
    %swap3A = arith.constant 0 : i32
    %swap3A_163 = arith.index_cast %swap3A : i32 to index
    %swap3A_164 = arith.constant 0 : index
    %swap3A_165 = tpu.vector_load %arg11[%swap3A_163, %swap3A_164] {strides = array<i32>} : memref<11x16xf32, #tpu.memory_space<vmem>>, vector<16xf32>,
    tpu.vector_store %arg11[%swap3A_163, %swap3A_164], %add3A_158 {strides = array<i32>} : memref<11x16xf32, #tpu.memory_space<vmem>>, vector<16xf32>,
    %swap3A_166 = arith.constant 1 : i32
    %swap3A_167 = arith.index_cast %swap3A_166 : i32 to index
    %swap3A_168 = arith.constant 0 : index
    %swap3A_169 = tpu.vector_load %arg11[%swap3A_167, %swap3A_168] {strides = array<i32>} : memref<11x16xf32, #tpu.memory_space<vmem>>, vector<16xf32>,
    tpu.vector_store %arg11[%swap3A_167, %swap3A_168], %add3A_159 {strides = array<i32>} : memref<11x16xf32, #tpu.memory_space<vmem>>, vector<16xf32>,
    %swap3A_170 = arith.constant 2 : i32
    %swap3A_171 = arith.index_cast %swap3A_170 : i32 to index
    %swap3A_172 = arith.constant 0 : index
    %swap3A_173 = tpu.vector_load %arg11[%swap3A_171, %swap3A_172] {strides = array<i32>} : memref<11x16xf32, #tpu.memory_space<vmem>>, vector<16xf32>,
    tpu.vector_store %arg11[%swap3A_171, %swap3A_172], %add3A_161 {strides = array<i32>} : memref<11x16xf32, #tpu.memory_space<vmem>>, vector<16xf32>,
    %swap3A_174 = arith.constant 3 : i32
    %swap3A_175 = arith.index_cast %swap3A_174 : i32 to index
    %swap3A_176 = arith.constant 0 : index
    %swap3A_177 = tpu.vector_load %arg11[%swap3A_175, %swap3A_176] {strides = array<i32>} : memref<11x16xf32, #tpu.memory_space<vmem>>, vector<16xf32>,
    tpu.vector_store %arg11[%swap3A_175, %swap3A_176], %add3A_131 {strides = array<i32>} : memref<11x16xf32, #tpu.memory_space<vmem>>, vector<16xf32>,
    %swap3A_178 = arith.constant 7 : i32
    %swap3A_179 = arith.index_cast %swap3A_178 : i32 to index
    %swap3A_180 = arith.constant 0 : index
    %swap3A_181 = tpu.vector_load %arg11[%swap3A_179, %swap3A_180] {strides = array<i32>} : memref<11x16xf32, #tpu.memory_space<vmem>>, vector<16xf32>,
    tpu.vector_store %arg11[%swap3A_179, %swap3A_180], %add3A_133 {strides = array<i32>} : memref<11x16xf32, #tpu.memory_space<vmem>>, vector<16xf32>,
    %swap3A_182 = arith.constant 4 : i32
    %swap3A_183 = arith.index_cast %swap3A_182 : i32 to index
    %swap3A_184 = arith.constant 0 : index
    %swap3A_185 = tpu.vector_load %arg11[%swap3A_183, %swap3A_184] {strides = array<i32>} : memref<11x16xf32, #tpu.memory_space<vmem>>, vector<16xf32>,
    tpu.vector_store %arg11[%swap3A_183, %swap3A_184], %add3A_139 {strides = array<i32>} : memref<11x16xf32, #tpu.memory_space<vmem>>, vector<16xf32>,
    %swap3A_186 = arith.constant 8 : i32
    %swap3A_187 = arith.index_cast %swap3A_186 : i32 to index
    %swap3A_188 = arith.constant 0 : index
    %swap3A_189 = tpu.vector_load %arg11[%swap3A_187, %swap3A_188] {strides = array<i32>} : memref<11x16xf32, #tpu.memory_space<vmem>>, vector<16xf32>,
    tpu.vector_store %arg11[%swap3A_187, %swap3A_188], %add3A_141 {strides = array<i32>} : memref<11x16xf32, #tpu.memory_space<vmem>>, vector<16xf32>,
    %swap3A_190 = arith.constant 5 : i32
    %swap3A_191 = arith.index_cast %swap3A_190 : i32 to index
    %swap3A_192 = arith.constant 0 : index
    %swap3A_193 = tpu.vector_load %arg11[%swap3A_191, %swap3A_192] {strides = array<i32>} : memref<11x16xf32, #tpu.memory_space<vmem>>, vector<16xf32>,
    tpu.vector_store %arg11[%swap3A_191, %swap3A_192], %add3A_147 {strides = array<i32>} : memref<11x16xf32, #tpu.memory_space<vmem>>, vector<16xf32>,
    %swap3A_194 = arith.constant 9 : i32
    %swap3A_195 = arith.index_cast %swap3A_194 : i32 to index
    %swap3A_196 = arith.constant 0 : index
    %swap3A_197 = tpu.vector_load %arg11[%swap3A_195, %swap3A_196] {strides = array<i32>} : memref<11x16xf32, #tpu.memory_space<vmem>>, vector<16xf32>,
    tpu.vector_store %arg11[%swap3A_195, %swap3A_196], %add3A_149 {strides = array<i32>} : memref<11x16xf32, #tpu.memory_space<vmem>>, vector<16xf32>,
    %swap3A_198 = arith.constant 6 : i32
    %swap3A_199 = arith.index_cast %swap3A_198 : i32 to index
    %swap3A_200 = arith.constant 0 : index
    %swap3A_201 = tpu.vector_load %arg11[%swap3A_199, %swap3A_200] {strides = array<i32>} : memref<11x16xf32, #tpu.memory_space<vmem>>, vector<16xf32>,
    tpu.vector_store %arg11[%swap3A_199, %swap3A_200], %add3A_155 {strides = array<i32>} : memref<11x16xf32, #tpu.memory_space<vmem>>, vector<16xf32>,
    %swap3A_202 = arith.constant 10 : i32
    %swap3A_203 = arith.index_cast %swap3A_202 : i32 to index
    %swap3A_204 = arith.constant 0 : index
    %swap3A_205 = tpu.vector_load %arg11[%swap3A_203, %swap3A_204] {strides = array<i32>} : memref<11x16xf32, #tpu.memory_space<vmem>>, vector<16xf32>,
    tpu.vector_store %arg11[%swap3A_203, %swap3A_204], %add3A_157 {strides = array<i32>} : memref<11x16xf32, #tpu.memory_space<vmem>>, vector<16xf32>,
    "tpu.region"() ({
      %run_scoped3A = tpu.sem_alloc : memref<!tpu.dma_semaphore, #tpu.memory_space<semaphore_mem>>
      %dma_start3A_206 = arith.constant 0 : i32
      %dma_start3A_207 = arith.constant 0 : i32
      %dma_start3A_208 = tpu.memref_slice %arg6[%add3A, %dma_start3A_206, %dma_start3A_207] : memref<32x11x16xf32, #tpu.memory_space<hbm>> -> memref<1x11x16xf32, #tpu.memory_space<hbm>>
      %dma_start3A_209 = tpu.memref_squeeze %dma_start3A_208 : memref<1x11x16xf32, #tpu.memory_space<hbm>> -> memref<11x16xf32, #tpu.memory_space<hbm>>
      %dma_start3A_210 = arith.constant 0 : i32
      %dma_start3A_211 = arith.constant 0 : i32
      %dma_start3A_212 = tpu.memref_slice %arg6[%add3A, %dma_start3A_210, %dma_start3A_211] : memref<32x11x16xf32, #tpu.memory_space<hbm>> -> memref<1x11x16xf32, #tpu.memory_space<hbm>>
      %dma_start3A_213 = tpu.memref_squeeze %dma_start3A_212 : memref<1x11x16xf32, #tpu.memory_space<hbm>> -> memref<11x16xf32, #tpu.memory_space<hbm>>
      tpu.enqueue_dma source(%arg11 : memref<11x16xf32, #tpu.memory_space<vmem>>) target(%dma_start3A_213 : memref<11x16xf32, #tpu.memory_space<hbm>>) target_semaphore(%run_scoped3A : memref<!tpu.dma_semaphore, #tpu.memory_space<semaphore_mem>>)
      %dma_wait3A_214 = arith.constant 0 : i32
      %dma_wait3A_215 = arith.constant 0 : i32
      %dma_wait3A_216 = tpu.memref_slice %arg6[%add3A, %dma_wait3A_214, %dma_wait3A_215] : memref<32x11x16xf32, #tpu.memory_space<hbm>> -> memref<1x11x16xf32, #tpu.memory_space<hbm>>
      %dma_wait3A_217 = tpu.memref_squeeze %dma_wait3A_216 : memref<1x11x16xf32, #tpu.memory_space<hbm>> -> memref<11x16xf32, #tpu.memory_space<hbm>>
      %dma_wait3A_218 = arith.constant 0 : i32
      %dma_wait3A_219 = arith.constant 0 : i32
      %dma_wait3A_220 = tpu.memref_slice %arg6[%add3A, %dma_wait3A_218, %dma_wait3A_219] : memref<32x11x16xf32, #tpu.memory_space<hbm>> -> memref<1x11x16xf32, #tpu.memory_space<hbm>>
      %dma_wait3A_221 = tpu.memref_squeeze %dma_wait3A_220 : memref<1x11x16xf32, #tpu.memory_space<hbm>> -> memref<11x16xf32, #tpu.memory_space<hbm>>
      tpu.wait_dma2 semaphore(%run_scoped3A : memref<!tpu.dma_semaphore, #tpu.memory_space<semaphore_mem>>) src(%arg11 : memref<11x16xf32, #tpu.memory_space<vmem>>) dst(%dma_wait3A_221 : memref<11x16xf32, #tpu.memory_space<hbm>>)
      tpu.yield
    }) : () -> ()
    return
  }
}

module attributes {stable_mosaic.version = 14 : i64} {
  func.func @body(%arg0: memref<32x11x16xf32, #tpu.memory_space<vmem>>, %arg1: memref<1x1xf32, #tpu.memory_space<smem>>) attributes {dimension_semantics = [], scalar_prefetch = 0 : i64, scratch_operands = 0 : i64, tpu.core_type = #tpu.core_type<tc>} {
    %get3A = arith.constant 0 : index
    %get3A_0 = arith.constant 0 : index
    %get3A_1 = arith.constant 0 : index
    %get3A_2 = vector.load %arg0[%get3A, %get3A_0, %get3A_1] : memref<32x11x16xf32, #tpu.memory_space<vmem>>, vector<32x1x16xf32>
    %get3A_3 = vector.shape_cast %get3A_2 : vector<32x1x16xf32> to vector<32x16xf32>
    %reduce_sum3A = vector.shape_cast %get3A_3 : vector<32x16xf32> to vector<1x32x16xf32>
    %reduce_sum3A_4 = arith.constant dense<0.000000e+00> : vector<1xf32>
    %reduce_sum3A_5 = vector.multi_reduction <add>, %reduce_sum3A, %reduce_sum3A_4 [1, 2] : vector<1x32x16xf32> to vector<1xf32>
    %reduce_sum3A_6 = vector.shape_cast %reduce_sum3A_5 : vector<1xf32> to vector<1x1x1xf32>
    %reduce_sum3A_7 = vector.extract %reduce_sum3A_6[0, 0, 0] : f32 from vector<1x1x1xf32>
    %get3A_8 = arith.constant 0 : index
    %get3A_9 = arith.constant 1 : index
    %get3A_10 = arith.constant 0 : index
    %get3A_11 = vector.load %arg0[%get3A_8, %get3A_9, %get3A_10] : memref<32x11x16xf32, #tpu.memory_space<vmem>>, vector<32x1x16xf32>
    %get3A_12 = vector.shape_cast %get3A_11 : vector<32x1x16xf32> to vector<32x16xf32>
    %reduce_sum3A_13 = vector.shape_cast %get3A_12 : vector<32x16xf32> to vector<1x32x16xf32>
    %reduce_sum3A_14 = arith.constant dense<0.000000e+00> : vector<1xf32>
    %reduce_sum3A_15 = vector.multi_reduction <add>, %reduce_sum3A_13, %reduce_sum3A_14 [1, 2] : vector<1x32x16xf32> to vector<1xf32>
    %reduce_sum3A_16 = vector.shape_cast %reduce_sum3A_15 : vector<1xf32> to vector<1x1x1xf32>
    %reduce_sum3A_17 = vector.extract %reduce_sum3A_16[0, 0, 0] : f32 from vector<1x1x1xf32>
    %get3A_18 = arith.constant 0 : index
    %get3A_19 = arith.constant 2 : index
    %get3A_20 = arith.constant 0 : index
    %get3A_21 = vector.load %arg0[%get3A_18, %get3A_19, %get3A_20] : memref<32x11x16xf32, #tpu.memory_space<vmem>>, vector<32x1x16xf32>
    %get3A_22 = vector.shape_cast %get3A_21 : vector<32x1x16xf32> to vector<32x16xf32>
    %reduce_sum3A_23 = vector.shape_cast %get3A_22 : vector<32x16xf32> to vector<1x32x16xf32>
    %reduce_sum3A_24 = arith.constant dense<0.000000e+00> : vector<1xf32>
    %reduce_sum3A_25 = vector.multi_reduction <add>, %reduce_sum3A_23, %reduce_sum3A_24 [1, 2] : vector<1x32x16xf32> to vector<1xf32>
    %reduce_sum3A_26 = vector.shape_cast %reduce_sum3A_25 : vector<1xf32> to vector<1x1x1xf32>
    %reduce_sum3A_27 = vector.extract %reduce_sum3A_26[0, 0, 0] : f32 from vector<1x1x1xf32>
    %add3A = arith.constant 9.99999997E-7 : f32
    %add3A_28 = arith.addf %reduce_sum3A_7, %add3A : f32
    %get3A_29 = arith.constant 0 : index
    %get3A_30 = arith.constant 3 : index
    %get3A_31 = arith.constant 0 : index
    %get3A_32 = vector.load %arg0[%get3A_29, %get3A_30, %get3A_31] : memref<32x11x16xf32, #tpu.memory_space<vmem>>, vector<32x1x16xf32>
    %get3A_33 = vector.shape_cast %get3A_32 : vector<32x1x16xf32> to vector<32x16xf32>
    %reduce_sum3A_34 = vector.shape_cast %get3A_33 : vector<32x16xf32> to vector<1x32x16xf32>
    %reduce_sum3A_35 = arith.constant dense<0.000000e+00> : vector<1xf32>
    %reduce_sum3A_36 = vector.multi_reduction <add>, %reduce_sum3A_34, %reduce_sum3A_35 [1, 2] : vector<1x32x16xf32> to vector<1xf32>
    %reduce_sum3A_37 = vector.shape_cast %reduce_sum3A_36 : vector<1xf32> to vector<1x1x1xf32>
    %reduce_sum3A_38 = vector.extract %reduce_sum3A_37[0, 0, 0] : f32 from vector<1x1x1xf32>
    %get3A_39 = arith.constant 0 : index
    %get3A_40 = arith.constant 7 : index
    %get3A_41 = arith.constant 0 : index
    %get3A_42 = vector.load %arg0[%get3A_39, %get3A_40, %get3A_41] : memref<32x11x16xf32, #tpu.memory_space<vmem>>, vector<32x1x16xf32>
    %get3A_43 = vector.shape_cast %get3A_42 : vector<32x1x16xf32> to vector<32x16xf32>
    %reduce_sum3A_44 = vector.shape_cast %get3A_43 : vector<32x16xf32> to vector<1x32x16xf32>
    %reduce_sum3A_45 = arith.constant dense<0.000000e+00> : vector<1xf32>
    %reduce_sum3A_46 = vector.multi_reduction <add>, %reduce_sum3A_44, %reduce_sum3A_45 [1, 2] : vector<1x32x16xf32> to vector<1xf32>
    %reduce_sum3A_47 = vector.shape_cast %reduce_sum3A_46 : vector<1xf32> to vector<1x1x1xf32>
    %reduce_sum3A_48 = vector.extract %reduce_sum3A_47[0, 0, 0] : f32 from vector<1x1x1xf32>
    %div3A = arith.divf %reduce_sum3A_38, %add3A_28 : f32
    %mul3A = arith.constant 2.000000e+00 : f32
    %mul3A_49 = arith.mulf %mul3A, %div3A : f32
    %mul3A_50 = arith.mulf %mul3A_49, %reduce_sum3A_38 : f32
    %sub3A = arith.subf %reduce_sum3A_48, %mul3A_50 : f32
    %mul3A_51 = arith.mulf %div3A, %div3A : f32
    %mul3A_52 = arith.mulf %mul3A_51, %reduce_sum3A_7 : f32
    %add3A_53 = arith.addf %sub3A, %mul3A_52 : f32
    %add3A_54 = arith.constant 0.000000e+00 : f32
    %add3A_55 = arith.addf %add3A_54, %add3A_53 : f32
    %get3A_56 = arith.constant 0 : index
    %get3A_57 = arith.constant 4 : index
    %get3A_58 = arith.constant 0 : index
    %get3A_59 = vector.load %arg0[%get3A_56, %get3A_57, %get3A_58] : memref<32x11x16xf32, #tpu.memory_space<vmem>>, vector<32x1x16xf32>
    %get3A_60 = vector.shape_cast %get3A_59 : vector<32x1x16xf32> to vector<32x16xf32>
    %reduce_sum3A_61 = vector.shape_cast %get3A_60 : vector<32x16xf32> to vector<1x32x16xf32>
    %reduce_sum3A_62 = arith.constant dense<0.000000e+00> : vector<1xf32>
    %reduce_sum3A_63 = vector.multi_reduction <add>, %reduce_sum3A_61, %reduce_sum3A_62 [1, 2] : vector<1x32x16xf32> to vector<1xf32>
    %reduce_sum3A_64 = vector.shape_cast %reduce_sum3A_63 : vector<1xf32> to vector<1x1x1xf32>
    %reduce_sum3A_65 = vector.extract %reduce_sum3A_64[0, 0, 0] : f32 from vector<1x1x1xf32>
    %get3A_66 = arith.constant 0 : index
    %get3A_67 = arith.constant 8 : index
    %get3A_68 = arith.constant 0 : index
    %get3A_69 = vector.load %arg0[%get3A_66, %get3A_67, %get3A_68] : memref<32x11x16xf32, #tpu.memory_space<vmem>>, vector<32x1x16xf32>
    %get3A_70 = vector.shape_cast %get3A_69 : vector<32x1x16xf32> to vector<32x16xf32>
    %reduce_sum3A_71 = vector.shape_cast %get3A_70 : vector<32x16xf32> to vector<1x32x16xf32>
    %reduce_sum3A_72 = arith.constant dense<0.000000e+00> : vector<1xf32>
    %reduce_sum3A_73 = vector.multi_reduction <add>, %reduce_sum3A_71, %reduce_sum3A_72 [1, 2] : vector<1x32x16xf32> to vector<1xf32>
    %reduce_sum3A_74 = vector.shape_cast %reduce_sum3A_73 : vector<1xf32> to vector<1x1x1xf32>
    %reduce_sum3A_75 = vector.extract %reduce_sum3A_74[0, 0, 0] : f32 from vector<1x1x1xf32>
    %div3A_76 = arith.divf %reduce_sum3A_65, %add3A_28 : f32
    %mul3A_77 = arith.constant 2.000000e+00 : f32
    %mul3A_78 = arith.mulf %mul3A_77, %div3A_76 : f32
    %mul3A_79 = arith.mulf %mul3A_78, %reduce_sum3A_65 : f32
    %sub3A_80 = arith.subf %reduce_sum3A_75, %mul3A_79 : f32
    %mul3A_81 = arith.mulf %div3A_76, %div3A_76 : f32
    %mul3A_82 = arith.mulf %mul3A_81, %reduce_sum3A_7 : f32
    %add3A_83 = arith.addf %sub3A_80, %mul3A_82 : f32
    %add3A_84 = arith.addf %add3A_55, %add3A_83 : f32
    %get3A_85 = arith.constant 0 : index
    %get3A_86 = arith.constant 5 : index
    %get3A_87 = arith.constant 0 : index
    %get3A_88 = vector.load %arg0[%get3A_85, %get3A_86, %get3A_87] : memref<32x11x16xf32, #tpu.memory_space<vmem>>, vector<32x1x16xf32>
    %get3A_89 = vector.shape_cast %get3A_88 : vector<32x1x16xf32> to vector<32x16xf32>
    %reduce_sum3A_90 = vector.shape_cast %get3A_89 : vector<32x16xf32> to vector<1x32x16xf32>
    %reduce_sum3A_91 = arith.constant dense<0.000000e+00> : vector<1xf32>
    %reduce_sum3A_92 = vector.multi_reduction <add>, %reduce_sum3A_90, %reduce_sum3A_91 [1, 2] : vector<1x32x16xf32> to vector<1xf32>
    %reduce_sum3A_93 = vector.shape_cast %reduce_sum3A_92 : vector<1xf32> to vector<1x1x1xf32>
    %reduce_sum3A_94 = vector.extract %reduce_sum3A_93[0, 0, 0] : f32 from vector<1x1x1xf32>
    %get3A_95 = arith.constant 0 : index
    %get3A_96 = arith.constant 9 : index
    %get3A_97 = arith.constant 0 : index
    %get3A_98 = vector.load %arg0[%get3A_95, %get3A_96, %get3A_97] : memref<32x11x16xf32, #tpu.memory_space<vmem>>, vector<32x1x16xf32>
    %get3A_99 = vector.shape_cast %get3A_98 : vector<32x1x16xf32> to vector<32x16xf32>
    %reduce_sum3A_100 = vector.shape_cast %get3A_99 : vector<32x16xf32> to vector<1x32x16xf32>
    %reduce_sum3A_101 = arith.constant dense<0.000000e+00> : vector<1xf32>
    %reduce_sum3A_102 = vector.multi_reduction <add>, %reduce_sum3A_100, %reduce_sum3A_101 [1, 2] : vector<1x32x16xf32> to vector<1xf32>
    %reduce_sum3A_103 = vector.shape_cast %reduce_sum3A_102 : vector<1xf32> to vector<1x1x1xf32>
    %reduce_sum3A_104 = vector.extract %reduce_sum3A_103[0, 0, 0] : f32 from vector<1x1x1xf32>
    %div3A_105 = arith.divf %reduce_sum3A_94, %add3A_28 : f32
    %mul3A_106 = arith.constant 2.000000e+00 : f32
    %mul3A_107 = arith.mulf %mul3A_106, %div3A_105 : f32
    %mul3A_108 = arith.mulf %mul3A_107, %reduce_sum3A_94 : f32
    %sub3A_109 = arith.subf %reduce_sum3A_104, %mul3A_108 : f32
    %mul3A_110 = arith.mulf %div3A_105, %div3A_105 : f32
    %mul3A_111 = arith.mulf %mul3A_110, %reduce_sum3A_7 : f32
    %add3A_112 = arith.addf %sub3A_109, %mul3A_111 : f32
    %add3A_113 = arith.addf %add3A_84, %add3A_112 : f32
    %get3A_114 = arith.constant 0 : index
    %get3A_115 = arith.constant 6 : index
    %get3A_116 = arith.constant 0 : index
    %get3A_117 = vector.load %arg0[%get3A_114, %get3A_115, %get3A_116] : memref<32x11x16xf32, #tpu.memory_space<vmem>>, vector<32x1x16xf32>
    %get3A_118 = vector.shape_cast %get3A_117 : vector<32x1x16xf32> to vector<32x16xf32>
    %reduce_sum3A_119 = vector.shape_cast %get3A_118 : vector<32x16xf32> to vector<1x32x16xf32>
    %reduce_sum3A_120 = arith.constant dense<0.000000e+00> : vector<1xf32>
    %reduce_sum3A_121 = vector.multi_reduction <add>, %reduce_sum3A_119, %reduce_sum3A_120 [1, 2] : vector<1x32x16xf32> to vector<1xf32>
    %reduce_sum3A_122 = vector.shape_cast %reduce_sum3A_121 : vector<1xf32> to vector<1x1x1xf32>
    %reduce_sum3A_123 = vector.extract %reduce_sum3A_122[0, 0, 0] : f32 from vector<1x1x1xf32>
    %get3A_124 = arith.constant 0 : index
    %get3A_125 = arith.constant 10 : index
    %get3A_126 = arith.constant 0 : index
    %get3A_127 = vector.load %arg0[%get3A_124, %get3A_125, %get3A_126] : memref<32x11x16xf32, #tpu.memory_space<vmem>>, vector<32x1x16xf32>
    %get3A_128 = vector.shape_cast %get3A_127 : vector<32x1x16xf32> to vector<32x16xf32>
    %reduce_sum3A_129 = vector.shape_cast %get3A_128 : vector<32x16xf32> to vector<1x32x16xf32>
    %reduce_sum3A_130 = arith.constant dense<0.000000e+00> : vector<1xf32>
    %reduce_sum3A_131 = vector.multi_reduction <add>, %reduce_sum3A_129, %reduce_sum3A_130 [1, 2] : vector<1x32x16xf32> to vector<1xf32>
    %reduce_sum3A_132 = vector.shape_cast %reduce_sum3A_131 : vector<1xf32> to vector<1x1x1xf32>
    %reduce_sum3A_133 = vector.extract %reduce_sum3A_132[0, 0, 0] : f32 from vector<1x1x1xf32>
    %div3A_134 = arith.divf %reduce_sum3A_123, %add3A_28 : f32
    %mul3A_135 = arith.constant 2.000000e+00 : f32
    %mul3A_136 = arith.mulf %mul3A_135, %div3A_134 : f32
    %mul3A_137 = arith.mulf %mul3A_136, %reduce_sum3A_123 : f32
    %sub3A_138 = arith.subf %reduce_sum3A_133, %mul3A_137 : f32
    %mul3A_139 = arith.mulf %div3A_134, %div3A_134 : f32
    %mul3A_140 = arith.mulf %mul3A_139, %reduce_sum3A_7 : f32
    %add3A_141 = arith.addf %sub3A_138, %mul3A_140 : f32
    %add3A_142 = arith.addf %add3A_113, %add3A_141 : f32
    %div3A_143 = arith.constant 4.000000e+00 : f32
    %div3A_144 = arith.divf %add3A_142, %div3A_143 : f32
    %mul3A_145 = arith.mulf %reduce_sum3A_17, %reduce_sum3A_17 : f32
    %div3A_146 = arith.constant 1.600000e+05 : f32
    %div3A_147 = arith.divf %mul3A_145, %div3A_146 : f32
    %sub3A_148 = arith.subf %reduce_sum3A_27, %div3A_147 : f32
    %div3A_149 = arith.constant 1.599990e+05 : f32
    %div3A_150 = arith.divf %sub3A_148, %div3A_149 : f32
    %add3A_151 = arith.addf %div3A_144, %div3A_150 : f32
    %swap3A = arith.constant 0 : index
    %swap3A_152 = arith.constant 0 : index
    %swap3A_153 = memref.load %arg1[%swap3A, %swap3A_152] : memref<1x1xf32, #tpu.memory_space<smem>>
    memref.store %add3A_151, %arg1[%swap3A, %swap3A_152] : memref<1x1xf32, #tpu.memory_space<smem>>
    return
  }
}

</mosaic_0001>

<sc_bundles>
// kernel: kernel.4.cloned.1.call-start
scs
__scs_entry_jumppad:
0x0: {  	(pc) =	sbr.rel $0x88, $3  }
0x1: {  	(tag) =	ssettag $0x0;
	lr =	simm.s32 $0x1  }
0x2: {  	[smem:$0x3F9D] =	sst lr;
	_ =	strace $0xD0000000  }
0x3: {  	_ = 	snop  }
0x4: {  	_ = 	snop  }
0x5: {  	_ = 	snop  }
0x6: {  	_ = 	snop  }
0x7: {  	_ = 	snop  }
__scs_overlays_trampoline_lowered:
0x8: {  	[smem:$0x3FAC] =	sst s0  }
0x9: {  	[smem:$0x3FAD] =	sst s1  }
0xa: {  	[smem:$0x3FAE] =	sst s2  }
0xb: {  	[smem:$0x3FAF] =	sst s3  }
0xc: {  	[smem:$0x3FB0] =	sst s4  }
0xd: {  	[smem:$0x3FB1] =	sst s5  }
0xe: {  	[smem:$0x3FB2] =	sst s6  }
0xf: {  	[smem:$0x3FB3] =	sst s7  }
0x10: {  	[smem:$0x3FB4] =	sst s8  }
0x11: {  	[smem:$0x3FB5] =	sst s9;
	s0 =	simm.s32 @!p0 $0x0  }
0x12: {  	s1 =	sld [smem:$0x3F9B];
	s0 =	simm.s32 @p0 $0x1  }
0x13: {  	[smem:$0x3FB6] =	sst s0;
	s0 =	simm.s32 @!p1 $0x0  }
0x14: {  	s2 =	sld [smem:$0x3F9A];
	s0 =	simm.s32 @p1 $0x1  }
0x15: {  	[smem:$0x3FB7] =	sst s0;
	s0 =	simm.s32 @!p2 $0x0  }
0x16: {  	s3 =	sld [smem:$0x3FDB];
	s0 =	simm.s32 @p2 $0x1  }
0x17: {  	s4 =	simm.s32 $0x1BF5;
	[smem:$0x3FB9] =	sst s0  }
0x18: {  	s0 =	sld [smem:$0x3F9C];
	_ =	swait.ge [sflag:s4], $0x0  }
0x19: {  	s7 =	sld [smem:$0x3F9D]  }
0x1a: {  	s8 =	sadd.s32 $0xFFFFE003, lr  }
0x1b: {  	s9 =	sadd.s32 $0xFFFFFEF7, lr;
	s5 =	simm.s32 $0xFFFFFFFF;
	p2 =	slt.u32 s8, $0xFFFFF086  }
0x1c: {  	p1 =	slt.u32 s9, $0xF7A;
	s5 =	simm.s32 @!p2 $0x0  }
0x1d: {  	s5 =	simm.s32 @p1 $0x1;
	p0 =	seq.s32 s7, s2  }
0x1e: {  	s7 =	smul.u32 @!p0 $0xF7A, s2;
	p2 =	seq.s32 @!p0 s5, $0x0  }
0x1f: {  	s9 =	smul.u32 $0xF7A, s1;
	s8 =	simm.s32 @!p0 $0x1BF5;
	p2 =	por !p2, p0  }
0x20: {  	[sflag:s8] =	ssyncset.s32 @!p0 $0xFFFFF086;
	s6 =	sadd.s32 @!p0 s3, s7;
	s7 =	simm.s32 @!p0 $0x108  }
0x21: {  	s3 =	sadd.s32 s3, s9;
	s6 =	sadd.s32 @!p0 $0x88, s6;
	s7 =	simm.s32 @p2 $0x1082  }
0x22: {  	[simem:s7], [sflag:s8] =	dma.local @!p0 [hbm:s6], $0xF7A  }
0x23: {  	s9 =	sor.u32 $0xD0000000, s2;
	s6 =	simm.s32 $0x108;
	_ =	swait.ge @!p0 [sflag:s8], $0x0  }
0x24: {  	s3 =	sadd.s32 $0x88, s3;
	s6 =	simm.s32 @!p1 $0x1082;
	[sflag:s4] =	ssyncset.s32 $0xFFFFF086  }
0x25: {  	[simem:s6], [sflag:s4] =	dma.local [hbm:s3], $0xF7A  }
0x26: {  	[smem:$0x3F9D] =	sst s1;
	(tag) =	ssettag s2;
	_ =	strace s9  }
0x27: {  	s1 =	sld [smem:$0x3FAD]  }
0x28: {  	s2 =	sld [smem:$0x3FAE]  }
0x29: {  	s4 =	sld [smem:$0x3FB0]  }
0x2a: {  	p0 =	seq.s32 s5, $0x0;
	s5 =	sld [smem:$0x3FB1]  }
0x2b: {  	s6 =	sld [smem:$0x3FB2]  }
0x2c: {  	s7 =	sld [smem:$0x3FB3]  }
0x2d: {  	s3 =	simm.s32 $0x108;
	s8 =	sld [smem:$0x3FB4]  }
0x2e: {  	s3 =	simm.s32 @!p0 $0x1082;
	s9 =	sld [smem:$0x3FB5]  }
0x2f: {  	lr =	sadd.s32 s0, s3;
	s0 =	sld [smem:$0x3FAC]  }
0x30: {  	s3 =	sld [smem:$0x3FAF]  }
0x31: {  	[smem:$0x3FB8] =	sst s10  }
0x32: {  	s10 =	sld [smem:$0x3FB6];
	_ =	sdelay $0x3  }
0x33: {  	p0 =	seq.s32 s10, $0x1;
	s10 =	sld [smem:$0x3FB8];
	_ =	sdelay $0x3  }
0x34: {  	[smem:$0x3FB8] =	sst s10  }
0x35: {  	s10 =	sld [smem:$0x3FB7];
	_ =	sdelay $0x3  }
0x36: {  	p1 =	seq.s32 s10, $0x1;
	s10 =	sld [smem:$0x3FB8];
	_ =	sdelay $0x3  }
0x37: {  	[smem:$0x3FB8] =	sst s10  }
0x38: {  	s10 =	sld [smem:$0x3FB9]  }
0x39: {  	_ = 	snop;
	(pc) =	sbr.ind lr, $3  }
0x3a: {  	_ = 	snop  }
0x3b: {  	_ = 	snop  }
0x3c: {  	p2 =	seq.s32 s10, $0x1;
	s10 =	sld [smem:$0x3FB8]  }
0x3d: {  	_ =	shalt  }
0x3e: {  	_ =	shalt  }
0x3f: {  	_ =	shalt  }
0x40: {  	_ =	shalt  }
0x41: {  	_ =	shalt  }
0x42: {  	_ =	shalt  }
0x43: {  	_ =	shalt  }
0x44: {  	_ =	shalt  }
0x45: {  	_ =	shalt  }
0x46: {  	_ =	shalt  }
0x47: {  	_ =	shalt  }
0x48: {  	_ =	shalt  }
0x49: {  	_ =	shalt  }
0x4a: {  	_ =	shalt  }
0x4b: {  	_ =	shalt  }
0x4c: {  	_ =	shalt  }
0x4d: {  	_ =	shalt  }
0x4e: {  	_ =	shalt  }
0x4f: {  	_ =	shalt  }
0x50: {  	_ =	shalt  }
0x51: {  	_ =	shalt  }
0x52: {  	_ =	shalt  }
0x53: {  	_ =	shalt  }
0x54: {  	_ =	shalt  }
0x55: {  	_ =	shalt  }
0x56: {  	_ =	shalt  }
0x57: {  	_ =	shalt  }
0x58: {  	_ =	shalt  }
0x59: {  	_ =	shalt  }
0x5a: {  	_ =	shalt  }
0x5b: {  	_ =	shalt  }
0x5c: {  	_ =	shalt  }
0x5d: {  	_ =	shalt  }
0x5e: {  	_ =	shalt  }
0x5f: {  	_ =	shalt  }
0x60: {  	_ =	shalt  }
0x61: {  	_ =	shalt  }
0x62: {  	_ =	shalt  }
0x63: {  	_ =	shalt  }
0x64: {  	_ =	shalt  }
0x65: {  	_ =	shalt  }
0x66: {  	_ =	shalt  }
0x67: {  	_ =	shalt  }
0x68: {  	_ =	shalt  }
0x69: {  	_ =	shalt  }
0x6a: {  	_ =	shalt  }
0x6b: {  	_ =	shalt  }
0x6c: {  	_ =	shalt  }
0x6d: {  	_ =	shalt  }
0x6e: {  	_ =	shalt  }
0x6f: {  	_ =	shalt  }
0x70: {  	_ =	shalt  }
0x71: {  	_ =	shalt  }
0x72: {  	_ =	shalt  }
0x73: {  	_ =	shalt  }
0x74: {  	_ =	shalt  }
0x75: {  	_ =	shalt  }
0x76: {  	_ =	shalt  }
0x77: {  	_ =	shalt  }
0x78: {  	_ =	shalt  }
0x79: {  	_ =	shalt  }
0x7a: {  	_ =	shalt  }
0x7b: {  	_ =	shalt  }
0x7c: {  	_ =	shalt  }
0x7d: {  	_ =	shalt  }
0x7e: {  	_ =	shalt  }
0x7f: {  	_ =	shalt  }
0x80: {  	_ =	shalt  }
0x81: {  	_ =	shalt  }
0x82: {  	_ =	shalt  }
0x83: {  	_ =	shalt  }
0x84: {  	_ =	shalt  }
0x85: {  	_ =	shalt  }
0x86: {  	_ =	shalt  }
0x87: {  	_ =	shalt  }
.Lfunc_end0:
.L_simem_size_0:
called_computation_lowered:
.L_overlay_start_0:
0x88: {  	s2 =	sld [smem:$0x3FD9]  }
0x89: {  	s3 =	sld [smem:$0x3FFE];
	_ =	sdelay $0x1  }
0x8a: {  	s1 =	srdreg.scid  }
0x8b: {  	s0 =	sand.u32 $0x1, s1  }
0x8c: {  	s17 =	sshll.u32 s0, $0xA;
	s2 =	sadd.s32 s3, s2  }
0x8d: {  	s2 =	sadd.s32 s2, s17  }
0x8e: {  	[smem:$0x3FC4] =	sst s2  }
0x8f: {  	_ = 	snop  }
0x90: {  	s2 =	sld [smem:$0x3FC8]  }
0x91: {  	s18 =	sld [smem:$0x3FC7]  }
0x92: {  	s4 =	sld [smem:$0x3FC6];
	(tm) =	ssettm $0x1  }
0x93: {  	s5 =	sld [smem:$0x3FFB];
	_ =	sdelay $0x3  }
0x94: {  	_ =	strace s5  }
0x95: {  	s5 =	sld [smem:$0x3FFC];
	_ =	sdelay $0x3  }
0x96: {  	_ =	strace s5  }
0x97: {  	s5 =	sld [smem:$0x3FFD];
	_ =	sdelay $0x3  }
0x98: {  	_ =	strace s5  }
0x99: {  	_ =	strace $0x8FFFFFFF  }
0x9a: {  	s19 =	sld [smem:$0x3FDB];
	_ =	sdelay $0x1  }
0x9b: {  	s6 =	simm.s32 $_scs_section_size  }
0x9c: {  	s7 =	simm.s32 $_size__tile_overlayer_lowered;
	s8 =	simm.s32 $_tile_overlayer_lowered  }
0x9d: {  	s22 =	simm.s32 $0x1BFF;
	s21 =	sshll.u32 s8, $0x1;
	s5 =	sadd.s32 s6, s19  }
0x9e: {  	s9 =	simm.s32 $0x0;
	s20 =	sshll.u32 s7, $0x1;
	s7 =	sadd.s32 s21, s5  }
0x9f: {  	[timem:s9], [sflag:s22] =	dma.local [hbm:s7], s20  }
0xa0: {  	_ =	swait.ge [sflag:s22], s20  }
0xa1: {  	s6 =	ssub.s32 $0x0, s20;
	[sflag:s22] =	ssyncset.done $0x0  }
0xa2: {  	[sflag:s22] =	ssyncadd.s32 s6;
	_ =	sdelay $0x1  }
0xa3: {  	s23 =	simm.s32 $0x1B8B  }
0xa4: {  	_ =	swait.ge [sflag:s23], $0x1  }
0xa5: {  	[sflag:s23] =	ssyncset.done $0x0  }
0xa6: {  	s25 =	simm.s32 $0x1B8E;
	s24 =	sld [smem:$0x3FFE];
	[sflag:s23] =	ssyncadd.s32 $0xFFFFFFFF  }
0xa7: {  	s26 =	simm.s32 $execute0_lowered;
	[smem:$0x3FD2] =	sst s25  }
0xa8: {  	s7 =	sshll.u32 s26, $0x1;
	_ =	strace $0x80000046;
	[dreg:$0x1] =	wrdreg $0xFFFFFFFF  }
0xa9: {  	s28 =	simm.s32 $_size_execute0_lowered;
	s5 =	sadd.s32 s5, s7;
	[dreg:$0x0] =	wrdreg $0x0  }
0xaa: {  	s7 =	sshll.u32 s28, $0x1;
	[dreg:$0x2] =	wrdreg s5  }
0xab: {  	[dreg:$0x3] =	wrdreg s7  }
0xac: {  	[dreg:$0x4] =	wrdreg $0xC0  }
0xad: {  	_ =	task [dreg:s9], $0x5FFFF  }
0xae: {  	[dreg:$0x1] =	wrdreg $0xFFFFFFFF  }
0xaf: {  	[dreg:$0x0] =	wrdreg $0x60  }
0xb0: {  	[dreg:$0x2] =	wrdreg s24  }
0xb1: {  	[dreg:$0x3] =	wrdreg s2  }
0xb2: {  	[dreg:$0x4] =	wrdreg s18  }
0xb3: {  	[dreg:$0x5] =	wrdreg s4  }
0xb4: {  	[dreg:$0x6] =	wrdreg $0x9  }
0xb5: {  	_ =	task.clear_ibuf [dreg:s9], $0x7FFFF;
	_ =	strace $0x90000046  }
0xb6: {  	s29 =	simm.s32 $0x9;
	_ =	strace $0x80000048  }
0xb7: {  	_ =	swait.ge [sflag:s29], $0x1  }
0xb8: {  	[sflag:s29] =	ssyncadd.s32 $0xFFFFFFFF  }
0xb9: {  	_ =	strace $0x90000048  }
0xba: {  	_ =	sfence  }
0xbb: {  	s30 =	sld [smem:$0x0];
	_ =	sdelay $0x2  }
0xbc: {  	s31 =	sshll.u32 s1, $0xD;
	s1 =	sshrl.u32 s1, $0x2  }
0xbd: {  	s3 =	sand.u32 $0x4000, s31;
	s1 =	sadd.s32 s1, s30  }
0xbe: {  	s0 =	sor.u32 s3, s0;
	s1 =	sshll.u32 s1, $0x11  }
0xbf: {  	s0 =	sor.u32 s1, s0  }
0xc0: {  	s0 =	sadd.s32 $0x8F2B, s0  }
0xc1: {  	[sflag:s0] =	ssyncadd.remote.s32 $0x1  }
0xc2: {  	_ =	sfence.sel $0xFFFF  }
0xc3: {  	[dreg:$0x0] =	wrdreg $0xFFFFFFFF;
	(pc) =	sbr.abs _section_cstart, $3  }
0xc4: {  	[dreg:$0x1] =	wrdreg $0xFFFFFFFF  }
0xc5: {  	_ =	task.clear_ibuf [dreg:s9], $0x2FFFF;
	_ =	strace $0x9FFFFFFF  }
0xc6: {  	(tm) =	ssettm $0x7FFFFFFF  }
0xc7: {  	_ =	shalt  }
tec
execute0_lowered:
.L_overlay_start_1:
0x0: {  	(tag) =	ssettag $0x1  }
0x1: {  	s1 =	srdreg.scid;
	s0 =	stileid.u32  }
0x2: {  	s6 =	rddreg [dreg:$0x0];
	s4 =	sand.u32 $0x1, s1;
	s20 =	sshll.u32 s0, $0x1  }
0x3: {  	s7 =	rddreg [dreg:$0x1];
	s5 =	sor.u32 s4, s20  }
0x4: {  	s9 =	rddreg [dreg:$0x2];
	s1 =	smul.u32 $0x139, s5  }
0x5: {  	s3 =	simm.s32 $0x1;
	s10 =	rddreg [dreg:$0x3];
	s2 =	smul.u32 $0x138, s5  }
0x6: {  	s16 =	simm.s32 $0x7780;
	p0 =	slt.u32 s0, $0x8;
	s1 =	sadd.s32 $0xFFFFFF0, s1  }
0x7: {  	s17 =	simm.s32 $0xDD80;
	s18 =	simm.s32 $0x2;
	s1 =	smov.u32 @p0 s2  }
0x8: {  	s19 =	simm.s32 $0x0;
	s8 =	sshll.u32 s1, $0x4;
	s1 =	sand.u32 $0x7, s1  }
0x9: {  	s21 =	sshra.s32 s8, $0x1F;
	p6 =	slt.s32 s8, $0x1;
	p1 =	sne.s32 s1, $0x0  }
0xa: {  	s4 =	ssub.s32 $0x2, s4;
	s22 =	sshrl.u32 s21, $0x19;
	p0 =	por !p6, !p1  }
0xb: {  	s5 =	sshll.u32 s5, $0x8;
	s1 =	sadd.s32 s22, s8;
	p0 =	por !p0, !p0  }
0xc: {  	s12 =	sshrl.u32 s4, $0x1;
	s11 =	sshra.s32 s1, $0x7;
	s3 =	simm.s32 @!p0 $0x0  }
0xd: {  	s14 =	sadd.s32 s5, s6;
	s12 =	ssub.s32 s4, s12;
	s11 =	ssub.s32 s11, s3  }
0xe: {  	s4 =	simm.s32 $0x1;
	s2 =	simm.s32 $0x0;
	p0 =	sgt.s32 s11, $0x0  }
0xf: {  	s12 =	smax.u32 s12, $0x1;
	[smem:$0x7FF] =	sst s2;
	s11 =	simm.s32 @!p0 $0x0  }
0x10: {  	s28 =	sshrl.u32 s8, $0x3;
	s15 =	sand.u32 $0x70, s8;
	s11 =	smin.u32 s11, $0x4B9  }
0x11: {  	s1 =	rddreg [dreg:$0x4];
	_ =	strace $0x80000047;
	s13 =	sshll.u32 s11, $0x7  }
0x12: {  	s3 =	sadd.s32 $0x600, s6;
	p0 =	sgt.u32 s0, $0x7;
	s13 =	ssub.s32 s8, s13  }
0x13: {  	s23 =	sshll.u32 s11, $0x5;
	s25 =	sshll.u32 s11, $0x6;
	s24 =	sadd.s32 $0x1380, s13  }
0x14: {  	s11 =	sadd.s32 $0x1000, s14;
	s14 =	simm.s32 $0x8B80;
	s26 =	sshrl.u32 s24, $0x7  }
0x15: {  	s5 =	sadd.s32 s7, s23;
	s6 =	sadd.s32 s10, s25;
	s29 =	sshll.u32 s26, $0xB  }
0x16: {  	s7 =	sadd.s32 s9, s28;
	s30 =	sshll.u32 s26, $0xA;
	s10 =	sshra.s32 s29, $0x2  }
0x17: {  	s13 =	sadd.s32 $0x10, s13;
	s31 =	sshra.s32 s30, $0x2;
	s8 =	sor.u32 s15, s10  }
0x18: {  	s9 =	sor.u32 s15, s31;
	s15 =	simm.s32 $0x2900;
	s10 =	sadd.s32 $0x8B80, s8  }
.LBB2_1:
0x19: {  	[tilespmem:s2], [sflag:$0x1] =	stream.linear.gather [hbm4b:s5+s2], $0x2900, $0x38;
	[tilespmem:$0xE580] =	vst v63  }
0x1a: {  	_ = 	snop  }
0x1b: {  	[tilespmem:s14], [sflag:$0x1] =	stream.linear.gather [hbm4b:s6+s2], $0x5200, $0x38;
	[tilespmem:$0xE580] =	vst v63  }
0x1c: {  	_ = 	snop  }
0x1d: {  	[tilespmem:s15], [sflag:$0x1] =	stream.linear.gather [hbm4b:s3+s2], $0x4E80, $0x38;
	[tilespmem:$0xE580] =	vst v63  }
0x1e: {  	_ = 	snop  }
0x1f: {  	[tilespmem:s16], [sflag:$0x1] =	stream.linear.gather [hbm4b:s7+s2], $0x1390, $0x38;
	[tilespmem:$0xE580] =	vst v63  }
0x20: {  	_ =	swait.ge [sflag:s4], $0x2900  }
0x21: {  	[sflag:s4] =	ssyncset.done $0x0  }
0x22: {  	[sflag:s4] =	ssyncadd.s32 $0xFFFFD700  }
0x23: {  	_ =	swait.ge [sflag:s4], $0x5200  }
0x24: {  	[sflag:s4] =	ssyncset.done $0x0  }
0x25: {  	[sflag:s4] =	ssyncadd.s32 $0xFFFFAE00  }
0x26: {  	_ =	swait.ge [sflag:s4], $0x4E80  }
0x27: {  	[sflag:s4] =	ssyncset.done $0x0  }
0x28: {  	[sflag:s4] =	ssyncadd.s32 $0xFFFFB180  }
0x29: {  	s20 =	sshrl.u32 s13, $0x7;
	_ =	swait.ge [sflag:s4], $0x1390  }
0x2a: {  	s21 =	sshll.u32 s20, $0xA;
	[sflag:s4] =	ssyncset.done $0x0  }
0x2b: {  	v0 =	vimm.f32 @!p0 $0.0e+00;
	s22 =	sand.u32 $0x70, s13;
	s21 =	sshra.s32 s21, $0x2;
	[sflag:s4] =	ssyncadd.s32 $0xFFFFEC70  }
0x2c: {  	s21 =	sor.u32 s22, s21;
	[tilespmem:$0x8B00] =	vst @!p0 v0  }
0x2d: {  	v0 =	vld [tilespmem:s21+$0x80]  }
0x2e: {  	s30 =	simm.s32 $0x7790;
	s23 =	sadd.s32 $0xFFFFFFF0, s13;
	s20 =	sshll.u32 s20, $0xB;
	v1 =	vld [tilespmem:s21+$0x0]  }
0x2f: {  	s24 =	sshrl.u32 s23, $0x7;
	s20 =	sshra.s32 s20, $0x2;
	v15 =	vld [tilespmem:s30+$0xFFFFFFF0]  }
0x30: {  	s25 =	sshll.u32 s24, $0xA;
	s20 =	sor.u32 s22, s20;
	v5 =	vld [tilespmem:s30+$0x0]  }
0x31: {  	s31 =	sand.u32 $0x70, s23;
	s23 =	sshra.s32 s25, $0x2;
	v2 =	vld [tilespmem:s20+$0x8C80]  }
0x32: {  	s22 =	sor.u32 s31, s23;
	v3 =	vld [tilespmem:s20+$0x8B80]  }
0x33: {  	s24 =	sshll.u32 s24, $0xB;
	v6 =	vld [tilespmem:s22+$0x0];
	v0 =	vshll.u32 v0, $0x1  }
0x34: {  	s23 =	sshra.s32 s24, $0x2;
	v8 =	vld [tilespmem:s22+$0x80];
	v1 =	vshll.u32 v1, $0x1  }
0x35: {  	s21 =	sor.u32 s31, s23;
	v14 =	vld [tilespmem:s20+$0x8C00];
	v4 =	vor.u32 $0x1, v0  }
0x36: {  	v9 =	vld [tilespmem:s21+$0x8B80];
	v7 =	vor.u32 $0x1, v1  }
0x37: {  	v17 =	vld [tilespmem:s21+$0x8D00]  }
0x38: {  	v6 =	vshll.u32 v6, $0x1;
	v10 =	vld.idx.msk [tilespmem:v0+s15+$0x0], $0xffff  }
0x39: {  	v8 =	vshll.u32 v8, $0x1;
	v1 =	vld.idx.msk [tilespmem:v1+s15+$0x0], $0xffff  }
0x3a: {  	v12 =	vor.u32 $0x1, v6;
	v4 =	vld.idx.msk [tilespmem:v4+s15+$0x0], $0xffff  }
0x3b: {  	v19 =	vor.u32 $0x1, v8;
	v20 =	vmul.f32 v9, v15;
	v7 =	vld.idx.msk [tilespmem:v7+s15+$0x0], $0xffff  }
0x3c: {  	v11 =	vld [tilespmem:s21+$0x8C00]  }
0x3d: {  	v16 =	vmul.f32 v3, v5;
	v9 =	vmul.f32 v20, v9;
	v6 =	vld.idx.msk [tilespmem:v6+s15+$0x0], $0xffff  }
0x3e: {  	v18 =	vmul.f32 v2, v5;
	v21 =	vmul.f32 v14, v5;
	v0 =	vimm.f32 $0.0e+00;
	v8 =	vld.idx.msk [tilespmem:v8+s15+$0x0], $0xffff  }
0x3f: {  	v23 =	vmul.f32 v17, v15;
	v13 =	vadd.f32 v15, v0;
	v12 =	vld.idx.msk [tilespmem:v12+s15+$0x0], $0xffff;
	v9 =	vadd.f32 v9, v0  }
0x40: {  	v3 =	vmul.f32 v16, v3;
	v19 =	vld.idx.msk [tilespmem:v19+s15+$0x0], $0xffff;
	v1 =	vsub.f32 v1, v10;
	v4 =	vsub.f32 v7, v4  }
0x41: {  	v10 =	vadd.f32 v5, v13;
	v13 =	vadd.f32 v20, v0;
	v20 =	vld [tilespmem:s20+$0x8D00];
	s20 =	sadd.s32 $0x20, s13;
	v7 =	vmul.f32 v11, v15  }
0x42: {  	s28 =	simm.s32 $0x77B0;
	s25 =	sshrl.u32 s20, $0x7;
	v1 =	vmul.f32 v1, v1;
	v4 =	vmul.f32 v4, v4  }
0x43: {  	v22 =	vld [tilespmem:s21+$0x8C80];
	v3 =	vadd.f32 v3, v9;
	v9 =	vmul.f32 v18, v2;
	v6 =	vsub.f32 v6, v8;
	s30 =	sadd.s32 $0xFFFFFFF0, s20;
	s31 =	sand.u32 $0x70, s20;
	s29 =	sshll.u32 s25, $0xA  }
0x44: {  	v2 =	vld [tilespmem:s28+$0x0];
	s26 =	sshrl.u32 s30, $0x7;
	s22 =	sshll.u32 s25, $0xB;
	v11 =	vmul.f32 v7, v11;
	v7 =	vadd.f32 v7, v0;
	s23 =	sshra.s32 s29, $0x2;
	v4 =	vadd.f32 v4, v1  }
0x45: {  	v12 =	vsub.f32 v12, v19;
	v13 =	vadd.f32 v16, v13;
	s22 =	sshra.s32 s22, $0x2;
	s23 =	sor.u32 s31, s23;
	v1 =	vld [tilespmem:s28+$0xFFFFFFF0];
	s28 =	sshll.u32 s26, $0xA  }
0x46: {  	v8 =	vmul.f32 v23, v17;
	s24 =	sand.u32 $0x70, s30;
	s29 =	sor.u32 s31, s22;
	v24 =	vadd.f32 v21, v7;
	v25 =	vld [tilespmem:s23+$0x80];
	s28 =	sshra.s32 s28, $0x2;
	v7 =	vadd.f32 $9.999999960e-13, v4  }
0x47: {  	v16 =	vadd.f32 v23, v0;
	v27 =	vld [tilespmem:s29+$0x8C80];
	v4 =	vmul.f32 v21, v14;
	v14 =	vmul.f32 v20, v5;
	s30 =	sor.u32 s24, s28  }
0x48: {  	v8 =	vadd.f32 v8, v0;
	v11 =	vadd.f32 v11, v0;
	v23 =	vld [tilespmem:s30+$0x0];
	v17 =	vshrl.u32 v7, $0x1  }
0x49: {  	s31 =	sshll.u32 s26, $0xB;
	v21 =	vmul.f32 $5.000000000e-01, v7;
	v19 =	vmul.f32 v14, v20;
	v14 =	vadd.f32 v14, v16;
	v16 =	vld [tilespmem:s30+$0x80]  }
0x4a: {  	v6 =	vmul.f32 v6, v6;
	v4 =	vadd.f32 v4, v11;
	v11 =	vsub.s32 $0x5F3759DF, v17;
	v17 =	vld [tilespmem:s23+$0x0];
	s23 =	sshra.s32 s31, $0x2  }
0x4b: {  	v12 =	vmul.f32 v12, v12;
	v20 =	vld [tilespmem:s29+$0x8B80];
	v25 =	vshll.u32 v25, $0x1;
	v26 =	vmul.f32 v11, v21;
	s23 =	sor.u32 s24, s23  }
0x4c: {  	v8 =	vadd.f32 v19, v8;
	v19 =	vmul.f32 v22, v15;
	v28 =	vor.u32 $0x1, v25;
	v29 =	vld [tilespmem:s23+$0x8B80]  }
0x4d: {  	v6 =	vadd.f32 v12, v6;
	v33 =	vld [tilespmem:s23+$0x8C00];
	v26 =	vmul.f32 v11, v26;
	v23 =	vshll.u32 v23, $0x1  }
0x4e: {  	v34 =	vld [tilespmem:s23+$0x8D00];
	v30 =	vadd.f32 v19, v0;
	v19 =	vmul.f32 v19, v22;
	v16 =	vshll.u32 v16, $0x1  }
0x4f: {  	v49 =	vadd.f32 $9.999999960e-13, v6;
	v22 =	vld [tilespmem:s29+$0x8C00];
	v26 =	vsub.f32 $1.500000000e+00, v26;
	v17 =	vshll.u32 v17, $0x1  }
0x50: {  	v10 =	vadd.f32 v1, v10;
	v19 =	vadd.f32 v19, v0;
	v25 =	vld.idx.msk [tilespmem:v25+s15+$0x0], $0xffff;
	v31 =	vor.u32 $0x1, v17  }
0x51: {  	v32 =	vmul.f32 v20, v2;
	v36 =	vor.u32 $0x1, v23;
	v28 =	vld.idx.msk [tilespmem:v28+s15+$0x0], $0xffff;
	v26 =	vmul.f32 v11, v26  }
0x52: {  	v38 =	vor.u32 $0x1, v16;
	v37 =	vmul.f32 v29, v1;
	v19 =	vadd.f32 v9, v19;
	v9 =	vld.idx.msk [tilespmem:v23+s15+$0x0], $0xffff  }
0x53: {  	v10 =	vadd.f32 v2, v10;
	v23 =	vmul.f32 v33, v1;
	v35 =	vmul.f32 v26, v21;
	v16 =	vld.idx.msk [tilespmem:v16+s15+$0x0], $0xffff  }
0x54: {  	v18 =	vadd.f32 v18, v30;
	v20 =	vmul.f32 v32, v20;
	v29 =	vmul.f32 v37, v29;
	v17 =	vld.idx.msk [tilespmem:v17+s15+$0x0], $0xffff  }
0x55: {  	v13 =	vadd.f32 v37, v13;
	v33 =	vmul.f32 v23, v33;
	v35 =	vmul.f32 v35, v26;
	v31 =	vld.idx.msk [tilespmem:v31+s15+$0x0], $0xffff  }
0x56: {  	v30 =	vmul.f32 v22, v2;
	v23 =	vadd.f32 v23, v24;
	v24 =	vld.idx.msk [tilespmem:v36+s15+$0x0], $0xffff;
	v3 =	vadd.f32 v29, v3  }
0x57: {  	v11 =	vmul.f32 v27, v2;
	v29 =	vld.idx.msk [tilespmem:v38+s15+$0x0], $0xffff;
	v4 =	vadd.f32 v33, v4;
	v35 =	vsub.f32 $1.500000000e+00, v35  }
0x58: {  	v12 =	vmul.f32 v34, v1;
	v23 =	vadd.f32 v30, v23;
	v9 =	vsub.f32 v9, v16  }
0x59: {  	v16 =	vld [tilespmem:s29+$0x8D00];
	v26 =	vmul.f32 v35, v26;
	v6 =	vsub.f32 v17, v25;
	v17 =	vshrl.u32 v49, $0x1  }
0x5a: {  	s22 =	sadd.s32 $0x20, s20;
	v28 =	vsub.f32 v31, v28;
	v31 =	vadd.f32 v20, v3;
	v3 =	vmul.f32 v30, v22  }
0x5b: {  	s20 =	sshrl.u32 s22, $0x7;
	v20 =	vmul.f32 $5.000000000e-01, v49;
	v17 =	vsub.s32 $0x5F3759DF, v17;
	v21 =	vmul.f32 v26, v21  }
0x5c: {  	s29 =	sshll.u32 s20, $0xA;
	s20 =	sshll.u32 s20, $0xB;
	v24 =	vsub.f32 v24, v29;
	v6 =	vmul.f32 v6, v6;
	v22 =	vmul.f32 v28, v28  }
0x5d: {  	s30 =	sand.u32 $0x70, s22;
	s24 =	sshra.s32 s29, $0x2;
	s20 =	sshra.s32 s20, $0x2;
	v28 =	vadd.f32 v3, v4;
	v3 =	vmul.f32 v17, v20;
	v21 =	vmul.f32 v21, v26  }
0x5e: {  	v29 =	vmul.f32 v9, v9;
	s24 =	sor.u32 s30, s24;
	s30 =	sor.u32 s30, s20;
	v25 =	vmul.f32 v16, v2;
	v4 =	vadd.f32 v22, v6  }
0x5f: {  	v52 =	vld [tilespmem:s30+$0x8B80];
	v3 =	vmul.f32 v17, v3;
	v9 =	vsub.f32 $1.500000000e+00, v21;
	v21 =	vmul.f32 v12, v34  }
0x60: {  	v27 =	vmul.f32 v11, v27;
	v22 =	vld [tilespmem:s23+$0x8C80];
	s23 =	simm.s32 $0x77D0;
	v12 =	vadd.f32 v12, v14;
	v6 =	vadd.f32 $9.999999960e-13, v4  }
0x61: {  	s25 =	sadd.s32 $0xFFFFFFF0, s22;
	v16 =	vmul.f32 v25, v16;
	v4 =	vld [tilespmem:s23+$0xFFFFFFF0];
	v8 =	vadd.f32 v21, v8;
	v21 =	vsub.f32 $1.500000000e+00, v3  }
0x62: {  	s26 =	sshrl.u32 s25, $0x7;
	v14 =	vld [tilespmem:s24+$0x80];
	v9 =	vmul.f32 v9, v26;
	v26 =	vshrl.u32 v6, $0x1;
	v30 =	vmul.f32 $5.000000000e-01, v6  }
0x63: {  	s31 =	sshll.u32 s26, $0xA;
	v24 =	vmul.f32 v24, v24;
	v3 =	vld [tilespmem:s23+$0x0];
	v26 =	vsub.s32 $0x5F3759DF, v26;
	v17 =	vmul.f32 v17, v21  }
0x64: {  	s29 =	sshra.s32 s31, $0x2;
	s31 =	sshll.u32 s26, $0xB;
	v55 =	vld [tilespmem:s30+$0x8C00];
	s23 =	sand.u32 $0x70, s25;
	v7 =	vmul.f32 v9, v7;
	v9 =	vadd.f32 v16, v8;
	v50 =	vmul.f32 v26, v30  }
0x65: {  	s20 =	sshra.s32 s31, $0x2;
	s28 =	sor.u32 s23, s29;
	v21 =	vld [tilespmem:s24+$0x0];
	v51 =	vmul.f32 v22, v1;
	v8 =	vadd.f32 v25, v12;
	v25 =	vmul.f32 v17, v20  }
0x66: {  	s20 =	sor.u32 s23, s20;
	v12 =	vld [tilespmem:s28+$0x0];
	v10 =	vadd.f32 v4, v10;
	v16 =	vmul.f32 v7, v5;
	v5 =	vmul.f32 v26, v50  }
0x67: {  	v39 =	vld [tilespmem:s20+$0x8B80];
	v54 =	vadd.f32 v51, v18;
	v18 =	vmul.f32 v51, v22;
	v22 =	vmul.f32 v25, v17  }
0x68: {  	v25 =	vld [tilespmem:s28+$0x80];
	v7 =	vadd.f32 v3, v10;
	v10 =	vshll.u32 v14, $0x1;
	v5 =	vsub.f32 $1.500000000e+00, v5  }
0x69: {  	v13 =	vadd.f32 v32, v13;
	v29 =	vadd.f32 v24, v29;
	v56 =	vor.u32 $0x1, v10  }
0x6a: {  	v53 =	vld [tilespmem:s30+$0x8C80];
	v21 =	vshll.u32 v21, $0x1;
	v22 =	vsub.f32 $1.500000000e+00, v22;
	v26 =	vmul.f32 v26, v5  }
0x6b: {  	v41 =	vld [tilespmem:s20+$0x8C00];
	v44 =	vmul.f32 v55, v3;
	v14 =	vadd.f32 v18, v19;
	v12 =	vshll.u32 v12, $0x1  }
0x6c: {  	v19 =	vld [tilespmem:s20+$0x8D00];
	v57 =	vor.u32 $0x1, v21;
	v40 =	vmul.f32 v22, v17;
	v17 =	vmul.f32 v26, v30  }
0x6d: {  	v18 =	vmul.f32 v52, v3;
	v59 =	vmul.f32 v39, v4;
	v25 =	vshll.u32 v25, $0x1;
	v43 =	vld.idx.msk [tilespmem:v10+s15+$0x0], $0xffff  }
0x6e: {  	v22 =	vor.u32 $0x1, v12;
	v20 =	vmul.f32 v40, v20;
	v37 =	vld.idx.msk [tilespmem:v56+s15+$0x0], $0xffff;
	v17 =	vmul.f32 v17, v26  }
0x6f: {  	v35 =	vmul.f32 v18, v52;
	v14 =	vadd.f32 v27, v14;
	v42 =	vor.u32 $0x1, v25;
	v62 =	vld.idx.msk [tilespmem:v21+s15+$0x0], $0xffff  }
0x70: {  	v5 =	vmul.f32 v53, v3;
	v46 =	vld.idx.msk [tilespmem:v12+s15+$0x0], $0xffff;
	v27 =	vmul.f32 v20, v40;
	v45 =	vsub.f32 $1.500000000e+00, v17  }
0x71: {  	v12 =	vmul.f32 v41, v4;
	v58 =	vld.idx.msk [tilespmem:v57+s15+$0x0], $0xffff;
	v17 =	vadd.f32 v11, v54;
	v11 =	vmul.f32 v59, v39  }
0x72: {  	v10 =	vmul.f32 v5, v53;
	v27 =	vsub.f32 $1.500000000e+00, v27;
	v60 =	vld.idx.msk [tilespmem:v25+s15+$0x0], $0xffff;
	v25 =	vmul.f32 v45, v26  }
0x73: {  	v26 =	vld.idx.msk [tilespmem:v22+s15+$0x0], $0xffff;
	v22 =	vadd.f32 v59, v13;
	v13 =	vmul.f32 v12, v41;
	v11 =	vadd.f32 v11, v31  }
0x74: {  	v23 =	vadd.f32 v12, v23;
	v61 =	vld.idx.msk [tilespmem:v42+s15+$0x0], $0xffff;
	v32 =	vsub.f32 v62, v43;
	v27 =	vmul.f32 v27, v40  }
0x75: {  	v20 =	vmul.f32 v19, v4;
	v13 =	vadd.f32 v13, v28;
	v12 =	vadd.f32 v35, v11  }
0x76: {  	v11 =	vadd.f32 v44, v23;
	v23 =	vmul.f32 v44, v55;
	v21 =	vmul.f32 v27, v49  }
0x77: {  	v31 =	vsub.f32 v58, v37;
	v30 =	vmul.f32 v25, v30;
	v28 =	vmul.f32 v16, v16  }
0x78: {  	v63 =	vsub.f32 v46, v60;
	v13 =	vadd.f32 v23, v13;
	v33 =	vmul.f32 v21, v15  }
0x79: {  	v30 =	vmul.f32 v30, v25;
	v23 =	vld [tilespmem:s30+$0x8D00];
	v27 =	vsub.f32 v26, v61;
	v21 =	vadd.f32 $9.999999960e-13, v29  }
0x7a: {  	s21 =	simm.s32 $0x77F0;
	s22 =	sadd.s32 $0x20, s22;
	v15 =	vld [tilespmem:s20+$0x8C80];
	s20 =	simm.s32 $0x4;
	v24 =	vmul.f32 v63, v63;
	v26 =	vadd.f32 v33, v0;
	v29 =	vmul.f32 v33, v33  }
.LBB2_2:
0x7b: {  	s23 =	sadd.s32 $0xFFFFFFF0, s22;
	s24 =	sshrl.u32 s22, $0x7;
	s25 =	sand.u32 $0x70, s22;
	v31 =	vmul.f32 v31, v31;
	v33 =	vshrl.u32 v21, $0x1;
	v34 =	vmul.f32 $5.000000000e-01, v21  }
0x7c: {  	s26 =	sshrl.u32 s23, $0x7;
	s28 =	sshll.u32 s24, $0xA;
	s24 =	sshll.u32 s24, $0xB;
	v32 =	vmul.f32 v32, v32;
	v33 =	vsub.s32 $0x5F3759DF, v33;
	v0 =	vadd.f32 v29, v0  }
0x7d: {  	v30 =	vsub.f32 $1.500000000e+00, v30;
	v26 =	vadd.f32 v16, v26;
	s29 =	sshll.u32 s26, $0xA;
	s28 =	sshra.s32 s28, $0x2;
	s24 =	sshra.s32 s24, $0x2;
	v35 =	vmul.f32 v33, v34  }
0x7e: {  	s30 =	sand.u32 $0x70, s23;
	v16 =	vmul.f32 v20, v19;
	s26 =	sshll.u32 s26, $0xB;
	s23 =	sshra.s32 s29, $0x2;
	v19 =	vadd.f32 v31, v32;
	v0 =	vadd.f32 v28, v0  }
0x7f: {  	v22 =	vadd.f32 v18, v22;
	s26 =	sshra.s32 s26, $0x2;
	s28 =	sor.u32 s25, s28;
	v18 =	vmul.f32 v23, v3;
	s29 =	sor.u32 s30, s23;
	v29 =	vld [tilespmem:s21+$0xFFFFFFF0];
	v28 =	vmul.f32 v33, v35  }
0x80: {  	s20 =	sadd.s32 $0x2, s20;
	v9 =	vadd.f32 v16, v9;
	s23 =	sor.u32 s25, s24;
	v31 =	vld [tilespmem:s21+$0x0];
	v16 =	vadd.f32 $9.999999960e-13, v19;
	v19 =	vmul.f32 v30, v25  }
0x81: {  	v8 =	vadd.f32 v20, v8;
	p1 =	slt.u32 s20, $0x136;
	v20 =	vmul.f32 v18, v23;
	v25 =	vld [tilespmem:s23+$0x8C80];
	v23 =	vsub.f32 $1.500000000e+00, v28  }
0x82: {  	s24 =	sor.u32 s30, s26;
	v28 =	vld [tilespmem:s23+$0x8B80];
	v30 =	vshrl.u32 v16, $0x1;
	v32 =	vmul.f32 $5.000000000e-01, v16;
	v19 =	vmul.f32 v19, v6;
	v6 =	vmovc v16  }
0x83: {  	v9 =	vadd.f32 v20, v9;
	v35 =	vld [tilespmem:s28+$0x80];
	v30 =	vsub.s32 $0x5F3759DF, v30;
	v20 =	vmul.f32 v33, v23  }
0x84: {  	v8 =	vadd.f32 v18, v8;
	v33 =	vmul.f32 v15, v4;
	v23 =	vld [tilespmem:s28+$0x0];
	v36 =	vmul.f32 v30, v32  }
0x85: {  	v7 =	vadd.f32 v29, v7;
	v16 =	vmul.f32 v19, v2;
	v2 =	vmovc v3;
	v18 =	vld [tilespmem:s29+$0x0];
	v37 =	vmul.f32 v20, v34  }
0x86: {  	v17 =	vadd.f32 v33, v17;
	v19 =	vmul.f32 v33, v15;
	v3 =	vmovc v31;
	v15 =	vld [tilespmem:s24+$0x8C80];
	v33 =	vmul.f32 v30, v36  }
0x87: {  	v7 =	vadd.f32 v3, v7;
	v31 =	vld [tilespmem:s29+$0x80];
	v36 =	vmul.f32 v37, v20  }
0x88: {  	v14 =	vadd.f32 v19, v14;
	v35 =	vshll.u32 v35, $0x1;
	v33 =	vsub.f32 $1.500000000e+00, v33  }
0x89: {  	v23 =	vshll.u32 v23, $0x1;
	v37 =	vor.u32 $0x1, v35;
	v38 =	vld [tilespmem:s23+$0x8C00];
	v36 =	vsub.f32 $1.500000000e+00, v36  }
0x8a: {  	v39 =	vshll.u32 v18, $0x1;
	v19 =	vld [tilespmem:s24+$0x8D00];
	v40 =	vor.u32 $0x1, v23;
	v30 =	vmul.f32 v30, v33  }
0x8b: {  	v18 =	vmul.f32 v28, v3;
	v33 =	vor.u32 $0x1, v39;
	v41 =	vld [tilespmem:s24+$0x8B80];
	v36 =	vmul.f32 v36, v20  }
0x8c: {  	v42 =	vmul.f32 v25, v3;
	v20 =	vshll.u32 v31, $0x1;
	v31 =	vld [tilespmem:s24+$0x8C00];
	v43 =	vmul.f32 v30, v32  }
0x8d: {  	v28 =	vmul.f32 v18, v28;
	v44 =	vor.u32 $0x1, v20;
	v35 =	vld.idx.msk [tilespmem:v35+s15+$0x0], $0xffff;
	v34 =	vmul.f32 v36, v34  }
0x8e: {  	v27 =	vmul.f32 v27, v27;
	v14 =	vadd.f32 v10, v14;
	v37 =	vld.idx.msk [tilespmem:v37+s15+$0x0], $0xffff;
	v43 =	vmul.f32 v43, v30  }
0x8f: {  	v17 =	vadd.f32 v5, v17;
	v10 =	vmul.f32 v42, v25;
	v40 =	vld.idx.msk [tilespmem:v40+s15+$0x0], $0xffff;
	v25 =	vmul.f32 v34, v36  }
0x90: {  	v5 =	vmovc v42;
	v45 =	vmul.f32 v38, v3;
	v34 =	vld.idx.msk [tilespmem:v39+s15+$0x0], $0xffff;
	v39 =	vmul.f32 v41, v29;
	v43 =	vsub.f32 $1.500000000e+00, v43  }
0x91: {  	v42 =	vld.idx.msk [tilespmem:v20+s15+$0x0], $0xffff;
	v46 =	vmul.f32 v31, v29;
	v20 =	vmul.f32 v19, v29;
	v47 =	vsub.f32 $1.500000000e+00, v25  }
0x92: {  	v33 =	vld.idx.msk [tilespmem:v33+s15+$0x0], $0xffff;
	v41 =	vmul.f32 v39, v41;
	v25 =	vmul.f32 v43, v30  }
0x93: {  	v22 =	vadd.f32 v39, v22;
	v43 =	vld.idx.msk [tilespmem:v44+s15+$0x0], $0xffff;
	v30 =	vmul.f32 v46, v31;
	v36 =	vmul.f32 v47, v36  }
0x94: {  	v11 =	vadd.f32 v46, v11;
	v12 =	vadd.f32 v41, v12;
	v39 =	vld.idx.msk [tilespmem:v23+s15+$0x0], $0xffff;
	v23 =	vmul.f32 v25, v32  }
0x95: {  	v31 =	vsub.f32 v40, v37;
	v13 =	vadd.f32 v30, v13;
	v21 =	vmul.f32 v36, v21  }
.Ltmp0:
0x96: {  	v11 =	vadd.f32 v45, v11;
	v12 =	vadd.f32 v28, v12;
	v28 =	vmul.f32 v45, v38;
	(pc) =	sbr.rel @p1 .LBB2_2-.Ltmp0, $4  }
0x97: {  	v32 =	vsub.f32 v34, v42;
	v34 =	vadd.f32 v27, v24;
	v30 =	vmul.f32 v23, v25  }
0x98: {  	v36 =	vmul.f32 v21, v1;
	v1 =	vmovc v4;
	v13 =	vadd.f32 v28, v13;
	v28 =	vmul.f32 v16, v16  }
0x99: {  	v4 =	vmovc v29;
	v27 =	vsub.f32 v33, v43;
	v24 =	vmul.f32 v32, v32;
	v21 =	vadd.f32 $9.999999960e-13, v34;
	v23 =	vld [tilespmem:s23+$0x8D00]  }
0x9a: {  	s22 =	sadd.s32 $0x20, s22;
	s21 =	sadd.s32 $0x20, s21;
	v32 =	vsub.f32 v39, v35;
	v26 =	vadd.f32 v36, v26;
	v29 =	vmul.f32 v36, v36  }
0x9b: {  	v33 =	vld [tilespmem:s9+$0x0]  }
0x9c: {  	v34 =	vld [tilespmem:s9+$0x80];
	_ =	sdelay $0x3  }
0x9d: {  	v33 =	vshll.u32 v33, $0x1  }
0x9e: {  	v34 =	vshll.u32 v34, $0x1  }
0x9f: {  	v35 =	vor.u32 $0x1, v33  }
0xa0: {  	v36 =	vor.u32 $0x1, v34;
	_ =	sdelay $0x1  }
0xa1: {  	v33 =	vld.idx.msk [tilespmem:v33+s15+$0x0], $0xffff  }
0xa2: {  	v37 =	vshrl.u32 v21, $0x1;
	v38 =	vmul.f32 $5.000000000e-01, v21;
	v34 =	vld.idx.msk [tilespmem:v34+s15+$0x0], $0xffff  }
0xa3: {  	v37 =	vsub.s32 $0x5F3759DF, v37;
	v35 =	vld.idx.msk [tilespmem:v35+s15+$0x0], $0xffff  }
0xa4: {  	v27 =	vmul.f32 v27, v27;
	v39 =	vmul.f32 v37, v38;
	v36 =	vld.idx.msk [tilespmem:v36+s15+$0x0], $0xffff  }
0xa5: {  	v31 =	vmul.f32 v31, v31;
	v32 =	vmul.f32 v32, v32  }
0xa6: {  	v24 =	vadd.f32 v27, v24;
	v61 =	vmul.f32 v37, v39  }
0xa7: {  	v31 =	vadd.f32 v31, v32  }
0xa8: {  	v24 =	vadd.f32 $9.999999960e-13, v24;
	v32 =	vsub.f32 $1.500000000e+00, v61  }
0xa9: {  	v59 =	vsub.f32 v33, v34;
	v60 =	vsub.f32 v35, v36  }
0xaa: {  	v63 =	vmul.f32 $5.000000000e-01, v24;
	v32 =	vmul.f32 v37, v32  }
0xab: {  	v62 =	vshrl.u32 v24, $0x1;
	v27 =	vmul.f32 v59, v59;
	v33 =	vmul.f32 v60, v60  }
0xac: {  	v31 =	vadd.f32 $9.999999960e-13, v31;
	v40 =	vmul.f32 v32, v38;
	v34 =	vsub.s32 $0x5F3759DF, v62  }
0xad: {  	v46 =	vmul.f32 v34, v63;
	v27 =	vadd.f32 v33, v27  }
0xae: {  	v44 =	vshrl.u32 v31, $0x1;
	v45 =	vmul.f32 $5.000000000e-01, v31;
	v40 =	vmul.f32 v40, v32  }
0xaf: {  	v39 =	vmul.f32 v34, v46;
	v33 =	vsub.s32 $0x5F3759DF, v44;
	v27 =	vadd.f32 $9.999999960e-13, v27  }
0xb0: {  	v48 =	vsub.f32 $1.500000000e+00, v40;
	v47 =	vmul.f32 v33, v45  }
0xb1: {  	v39 =	vsub.f32 $1.500000000e+00, v39;
	v41 =	vshrl.u32 v27, $0x1;
	v42 =	vmul.f32 $5.000000000e-01, v27  }
0xb2: {  	v32 =	vmul.f32 v48, v32;
	v37 =	vmul.f32 v33, v47;
	v41 =	vsub.s32 $0x5F3759DF, v41  }
0xb3: {  	v34 =	vmul.f32 v34, v39;
	v43 =	vmul.f32 v41, v42  }
0xb4: {  	v38 =	vmul.f32 v32, v38;
	v37 =	vsub.f32 $1.500000000e+00, v37  }
0xb5: {  	v30 =	vsub.f32 $1.500000000e+00, v30;
	v50 =	vmul.f32 v34, v63;
	v49 =	vmul.f32 v41, v43  }
0xb6: {  	v38 =	vmul.f32 v38, v32;
	v33 =	vmul.f32 v33, v37  }
0xb7: {  	v25 =	vmul.f32 v30, v25;
	v37 =	vmul.f32 v50, v34;
	v51 =	vsub.f32 $1.500000000e+00, v49  }
0xb8: {  	v19 =	vmul.f32 v20, v19;
	v54 =	vsub.f32 $1.500000000e+00, v38;
	v52 =	vmul.f32 v33, v45  }
0xb9: {  	v6 =	vmul.f32 v25, v6;
	v37 =	vsub.f32 $1.500000000e+00, v37;
	v39 =	vmul.f32 v41, v51  }
0xba: {  	v56 =	vmul.f32 v54, v32;
	v40 =	vmul.f32 v52, v33  }
0xbb: {  	v18 =	vadd.f32 v18, v22;
	v34 =	vmul.f32 v37, v34;
	v41 =	vmul.f32 v39, v42  }
0xbc: {  	v2 =	vmul.f32 v6, v2;
	v59 =	vmul.f32 v56, v21;
	v53 =	vsub.f32 $1.500000000e+00, v40  }
0xbd: {  	v0 =	vadd.f32 v29, v0;
	v35 =	vmul.f32 v34, v63;
	v55 =	vmul.f32 v41, v39  }
0xbe: {  	v16 =	vadd.f32 v16, v26;
	v1 =	vmul.f32 v59, v1;
	v33 =	vmul.f32 v53, v33  }
0xbf: {  	v44 =	vld [tilespmem:s8+$0x8B80];
	v38 =	vmul.f32 v2, v2;
	v35 =	vmul.f32 v35, v34;
	v57 =	vsub.f32 $1.500000000e+00, v55  }
0xc0: {  	v0 =	vadd.f32 v28, v0;
	v47 =	vld [tilespmem:s10+$0x80];
	v37 =	vmul.f32 v1, v1;
	v58 =	vmul.f32 v33, v45  }
0xc1: {  	v54 =	vmul.f32 v23, v3;
	v41 =	vld [tilespmem:$0x8B00];
	v62 =	vsub.f32 $1.500000000e+00, v35;
	v60 =	vmul.f32 v57, v39  }
0xc2: {  	v48 =	vld [tilespmem:s10+$0x100];
	v1 =	vadd.f32 v1, v16;
	v0 =	vadd.f32 v37, v0;
	v61 =	vmul.f32 v58, v33  }
0xc3: {  	v8 =	vadd.f32 v20, v8;
	v36 =	vmul.f32 v62, v34;
	v63 =	vmul.f32 v60, v42  }
0xc4: {  	v1 =	vadd.f32 v2, v1;
	v0 =	vadd.f32 v38, v0;
	v45 =	vmul.f32 v15, v4  }
0xc5: {  	v35 =	vsub.f32 $1.500000000e+00, v61;
	v24 =	vmul.f32 v36, v24;
	v21 =	vmul.f32 v63, v60  }
0xc6: {  	v17 =	vadd.f32 v45, v17;
	v49 =	vmul.f32 v44, v41;
	v53 =	vmul.f32 v47, v41  }
0xc7: {  	v58 =	vmul.f32 v48, v41;
	v6 =	vmul.f32 v35, v33;
	v39 =	vsub.f32 $1.500000000e+00, v21  }
0xc8: {  	v7 =	vadd.f32 v41, v7;
	v40 =	vmul.f32 v24, v4;
	v4 =	vmul.f32 v45, v15  }
0xc9: {  	v5 =	vadd.f32 v5, v17;
	v6 =	vmul.f32 v6, v31;
	v42 =	vmul.f32 v39, v60  }
0xca: {  	v55 =	vadd.f32 v49, v18;
	v11 =	vadd.f32 v53, v11;
	v43 =	vmul.f32 v40, v40  }
0xcb: {  	v62 =	vadd.f32 v58, v5;
	v6 =	vmul.f32 v6, v3;
	v2 =	vmul.f32 v42, v27  }
0xcc: {  	v51 =	vld [tilespmem:s10+$0x180];
	v52 =	vmul.f32 v49, v44;
	v1 =	vadd.f32 v40, v1;
	v4 =	vadd.f32 v4, v14  }
0xcd: {  	[tilespmem:$0xDD80] =	vst v7;
	v0 =	vadd.f32 v43, v0;
	v46 =	vmul.f32 v6, v6;
	v2 =	vmul.f32 v2, v41  }
0xce: {  	[tilespmem:$0xDF00] =	vst v55;
	v4 =	vadd.f32 v10, v4;
	v1 =	vadd.f32 v6, v1;
	v6 =	vmul.f32 v58, v48  }
0xcf: {  	v56 =	vadd.f32 v52, v12;
	[tilespmem:$0xDF80] =	vst v11;
	v0 =	vadd.f32 v46, v0;
	v50 =	vmul.f32 v2, v2  }
0xd0: {  	v9 =	vadd.f32 v19, v9;
	v59 =	vmul.f32 v54, v23;
	[tilespmem:$0xE000] =	vst v62;
	v4 =	vadd.f32 v6, v4  }
0xd1: {  	v57 =	vmul.f32 v53, v47;
	[tilespmem:$0xE100] =	vst v56;
	v60 =	vmul.f32 v51, v41;
	v0 =	vadd.f32 v50, v0  }
0xd2: {  	v61 =	vadd.f32 v54, v8;
	[tilespmem:$0xE200] =	vst v4;
	v1 =	vadd.f32 v2, v1  }
0xd3: {  	v63 =	vmul.f32 v60, v51;
	v2 =	vadd.f32 v57, v13;
	[tilespmem:$0xDE80] =	vst v0;
	v0 =	vadd.f32 v59, v9  }
0xd4: {  	[tilespmem:$0xDE00] =	vst v1;
	v1 =	vadd.f32 v60, v61  }
0xd5: {  	s19 =	sadd.s32 $0x1, s19;
	[tilespmem:$0xE180] =	vst v2;
	v0 =	vadd.f32 v63, v0  }
0xd6: {  	p1 =	sne.s32 s19, s12;
	[tilespmem:$0xE080] =	vst v1  }
.Ltmp1:
0xd7: {  	[tilespmem:$0xE280] =	vst v0;
	(pc) =	sbr.rel @p1 .LBB2_1-.Ltmp1, $4  }
0xd8: {  	[hbm4b:s11+s2] =	stream.linear.scatter [tilespmem:s17], [sflag:$0x2], $0x580, $0x38;
	[tilespmem:$0xE580] =	vst v63  }
0xd9: {  	_ =	swait.ge [sflag:s18], $0x580  }
0xda: {  	[sflag:s18] =	ssyncset.done $0x0  }
0xdb: {  	[sflag:s18] =	ssyncadd.s32 $0xFFFFFA80  }
0xdc: {  	_ =	sfence.sel $0x180000  }
0xdd: {  	[bflag:$0x0] =	sbarrier.arrive $0xFFFF  }
0xde: {  	p0 =	sne.s32 s0, $0x0;
	_ =	strace $0x90000047  }
0xdf: {  	s0 =	sadd.s32 @!p0 $0x100000, s1;
	[bflag:$0x2] =	sbarrier.arrive $0xFFFF  }
0xe0: {  	[sflag:s0] =	ssyncadd.tile.s32 @!p0 $0x1;
	_ =	shalt  }
.Lfunc_end2:
_tile_overlayer_lowered:
.L_overlay_start_2:
0xe1: {  	(tag) =	ssettag $0x2  }
0xe2: {  	s0 =	rddreg [dreg:$0x0];
	s2 =	stileid.u32  }
0xe3: {  	s1 =	rddreg [dreg:$0x1];
	p0 =	sne.s32 s2, $0x0  }
0xe4: {  	s3 =	rddreg [dreg:$0x2];
	[bflag:$0x3] =	sbarrier.arrive $0xFFFF;
	s2 =	simm.s32 @!p0 $0x1C02  }
0xe5: {  	[timem:s3], [sflag:s2] =	dma.local @!p0 [hbm:s0], s1  }
0xe6: {  	s0 =	simm.s32 @!p0 $0x2  }
0xe7: {  	_ =	swait.ge @!p0 [sflag:s0], s1  }
0xe8: {  	s1 =	ssub.s32 @!p0 $0x0, s1;
	[sflag:s0] =	ssyncset.done @!p0 $0x0  }
0xe9: {  	[sflag:s0] =	ssyncadd.s32 @!p0 s1  }
0xea: {  	[bflag:$0x3] =	sbarrier.arrive $0xFFFF  }
0xeb: {  	_ =	shalt  }

</sc_bundles>
